<compile_context>
chip_gen: v7x
topology: tpu7x:2x2x1
jax: 0.10.2.dev20260603
libtpu: 0.0.44.dev20260713+nightly
codegen_flags: <defaults>
</compile_context>

<pallas_src>
import functools

import jax
import jax.numpy as jnp
from jax import lax
from jax.experimental import pallas as pl
from jax.experimental.pallas import tpu as pltpu
from jax.experimental.pallas import tpu_sc as plsc


_B, _C, _H, _W = 8, 1024, 24, 24
_HW = _H * _W
_ROWS = _B * _HW
_NW = 32
_RPW = _ROWS // _NW
_SCCH = 48
_NK = _C // 16
_RC = 2304
_BIG = 1 << 20


@functools.partial(
    pl.kernel,
    mesh=plsc.VectorSubcoreMesh(core_axis_name="c", subcore_axis_name="s"),
    out_type=jax.ShapeDtypeStruct((_ROWS,), jnp.int32),
    scratch_types=[
        pltpu.VMEM((_SCCH, _C), jnp.float32),
        pltpu.VMEM((_RPW,), jnp.int32),
    ],
)
def _sc_argmax(x_hbm, out_hbm, buf, res):
    wid = lax.axis_index("s") * 2 + lax.axis_index("c")
    base = wid * _RPW
    for ch in range(_RPW // _SCCH):
        pltpu.sync_copy(x_hbm.at[pl.ds(base + ch * _SCCH, _SCCH)], buf)

        def rgroup_body(g, _):
            def row_body(r16, acc):
                row = g * 16 + r16

                def k_body(k, carry):
                    m, idx = carry
                    v = buf[row, pl.ds(16 * k, 16)]
                    take = v > m
                    lanes = lax.iota(jnp.int32, 16) + 16 * k
                    return (jnp.where(take, v, m),
                            jnp.where(take, lanes, idx))

                m0 = buf[row, pl.ds(0, 16)]
                i0 = lax.iota(jnp.int32, 16)
                m, idx = lax.fori_loop(1, _NK, k_body, (m0, i0))
                rmax = m
                for sh in (8, 4, 2, 1):
                    perm = lax.iota(jnp.int32, 16) ^ sh
                    rmax = jnp.maximum(
                        rmax, rmax.at[perm].get(mode="promise_in_bounds"))
                cand = jnp.where(m == rmax, idx, _BIG)
                for sh in (8, 4, 2, 1):
                    perm = lax.iota(jnp.int32, 16) ^ sh
                    cand = jnp.minimum(
                        cand, cand.at[perm].get(mode="promise_in_bounds"))
                return jnp.where(lax.iota(jnp.int32, 16) == r16, cand, acc)

            acc = lax.fori_loop(0, 16, row_body,
                                jnp.zeros((16,), jnp.int32))
            res[pl.ds(ch * _SCCH + g * 16, 16)] = acc
            return 0

        lax.fori_loop(0, _SCCH // 16, rgroup_body, 0)
    pltpu.sync_copy(res, out_hbm.at[pl.ds(base, _RPW)])


def _copy_body(x_ref, xo_ref):
    xo_ref[...] = x_ref[...]


def kernel(inputs):
    xt = inputs.transpose(0, 2, 3, 1).reshape(_ROWS, _C)
    idx = _sc_argmax(xt)
    x_out = pl.pallas_call(
        _copy_body,
        grid=(_ROWS // _RC,),
        in_specs=[pl.BlockSpec((_RC, _C), lambda i: (i, 0))],
        out_specs=pl.BlockSpec((_RC, _C), lambda i: (i, 0)),
        out_shape=jax.ShapeDtypeStruct((_ROWS, _C), jnp.float32),
    )(xt)
    x_out = x_out.reshape(_B, _H, _W, _C).transpose(0, 3, 1, 2)
    return (x_out, idx.reshape(_B, 1, _H, _W))

# --- scband reference (transcript-rebuilt; emitter-appended) ---
"""Pipeline reference for scband-soho-direct-vd-50508815401591 (READ-ONLY COPY).

The authoritative reference and input builder live on the scoring server;
editing this copy changes nothing except your own understanding.
"""

import jax, jax.numpy as jnp
import numpy as np


def setup_inputs(seed: int = 0) -> dict:
    key = jax.random.key(seed)
    inputs = jax.random.normal(key, (8, 1024, 24, 24), dtype=jnp.float32)
    return {"inputs": inputs}


def reference(inputs):
    # Faithful translation of SOHO_direct_VD.forward
    x = inputs
    # torch.argmax(x, dim=1).unsqueeze(1) -> [B, 1, H, W] int indices
    encoding_indices = jnp.expand_dims(jnp.argmax(x, axis=1), 1)
    return (x, encoding_indices)

if __name__ == "__main__":
    import jax
    _d = setup_inputs()
    print(jax.jit(kernel)(*tuple(_d.values())))

</pallas_src>

<mosaic_0001>
#map = affine_map<(d0, d1) -> (0, 0)>
#map1 = affine_map<(d0, d1) -> (0)>
module attributes {stable_mosaic.version = 14 : i64} {
  func.func @_sc_argmax(%arg0: i32, %arg1: i32, %arg2: memref<4608x1024xf32, #tpu.memory_space<hbm>>, %arg3: memref<4608xi32, #tpu.memory_space<hbm>>, %arg4: memref<48x1024xf32, #tpu.memory_space<vmem>>, %arg5: memref<144xi32, #tpu.memory_space<vmem>>) attributes {dimension_semantics = [#tpu.dimension_semantics<core_parallel>, #tpu.dimension_semantics<subcore_parallel>], iteration_bounds = array<i64: 2, 16>, scalar_prefetch = 0 : i64, scratch_operands = 2 : i64, tpu.core_type = #tpu.core_type<sc_vector_subcore>, window_params = [{transform_indices = #map}, {transform_indices = #map1}]} {
    %mul3A = arith.constant 2 : i32
    %mul3A_0 = arith.muli %arg1, %mul3A : i32
    %add3A = arith.addi %mul3A_0, %arg0 : i32
    %mul3A_1 = arith.constant 144 : i32
    %mul3A_2 = arith.muli %add3A, %mul3A_1 : i32
    %add3A_3 = arith.constant 0 : i32
    %add3A_4 = arith.addi %mul3A_2, %add3A_3 : i32
    "tpu.region"() ({
      %run_scoped3A = tpu.sem_alloc : memref<!tpu.dma_semaphore, #tpu.memory_space<semaphore_mem>>
      %dma_start3A = arith.constant 0 : i32
      %dma_start3A_29 = tpu.memref_slice %arg2[%add3A_4, %dma_start3A] : memref<4608x1024xf32, #tpu.memory_space<hbm>> -> memref<48x1024xf32, #tpu.memory_space<hbm>>
      %dma_start3A_30 = arith.constant 0 : i32
      %dma_start3A_31 = tpu.memref_slice %arg2[%add3A_4, %dma_start3A_30] : memref<4608x1024xf32, #tpu.memory_space<hbm>> -> memref<48x1024xf32, #tpu.memory_space<hbm>>
      tpu.enqueue_dma source(%dma_start3A_31 : memref<48x1024xf32, #tpu.memory_space<hbm>>) target(%arg4 : memref<48x1024xf32, #tpu.memory_space<vmem>>) target_semaphore(%run_scoped3A : memref<!tpu.dma_semaphore, #tpu.memory_space<semaphore_mem>>)
      %dma_wait3A = arith.constant 0 : i32
      %dma_wait3A_32 = tpu.memref_slice %arg2[%add3A_4, %dma_wait3A] : memref<4608x1024xf32, #tpu.memory_space<hbm>> -> memref<48x1024xf32, #tpu.memory_space<hbm>>
      %dma_wait3A_33 = arith.constant 0 : i32
      %dma_wait3A_34 = tpu.memref_slice %arg2[%add3A_4, %dma_wait3A_33] : memref<4608x1024xf32, #tpu.memory_space<hbm>> -> memref<48x1024xf32, #tpu.memory_space<hbm>>
      tpu.wait_dma2 semaphore(%run_scoped3A : memref<!tpu.dma_semaphore, #tpu.memory_space<semaphore_mem>>) src(%dma_wait3A_34 : memref<48x1024xf32, #tpu.memory_space<hbm>>) dst(%arg4 : memref<48x1024xf32, #tpu.memory_space<vmem>>)
      tpu.yield
    }) : () -> ()
    %scan3A = arith.constant 0 : i32
    %scan3A_5 = arith.constant 0 : i32
    %scan3A_6 = arith.constant 3 : i32
    %scan3A_7 = arith.addi %scan3A_5, %scan3A_6 : i32
    %scan3A_8 = arith.constant 1 : i32
    %scan3A_9 = scf.for %scan3A_29 = %scan3A_5 to %scan3A_7 step %scan3A_8 iter_args(%scan3A_30 = %scan3A) -> (i32)  : i32 {
      %broadcast_in_dim3A = arith.constant 0 : i32
      %broadcast_in_dim3A_31 = vector.broadcast %broadcast_in_dim3A : i32 to vector<16xi32>
      %scan3A_32 = arith.constant 0 : i32
      %scan3A_33 = arith.constant 16 : i32
      %scan3A_34 = arith.addi %scan3A_32, %scan3A_33 : i32
      %scan3A_35 = arith.constant 1 : i32
      %scan3A_36 = scf.for %scan3A_46 = %scan3A_32 to %scan3A_34 step %scan3A_35 iter_args(%scan3A_47 = %broadcast_in_dim3A_31) -> (vector<16xi32>)  : i32 {
        %mul3A_48 = arith.constant 16 : i32
        %mul3A_49 = arith.muli %scan3A_29, %mul3A_48 : i32
        %add3A_50 = arith.addi %mul3A_49, %scan3A_46 : i32
        %get3A = arith.index_cast %add3A_50 : i32 to index
        %get3A_51 = arith.constant 0 : index
        %get3A_52 = tpu.vector_load %arg4[%get3A, %get3A_51] {strides = array<i32>} : memref<48x1024xf32, #tpu.memory_space<vmem>>, vector<1x16xf32>,
        %get3A_53 = vector.shape_cast %get3A_52 : vector<1x16xf32> to vector<16xf32>
        %iota3A = tpu.iota {dimensions = array<i32: 0>} : vector<16xi32>
        %scan3A_54 = arith.constant 1 : i32
        %scan3A_55 = arith.constant 63 : i32
        %scan3A_56 = arith.addi %scan3A_54, %scan3A_55 : i32
        %scan3A_57 = arith.constant 1 : i32
        %scan3A_58:2 = scf.for %scan3A_180 = %scan3A_54 to %scan3A_56 step %scan3A_57 iter_args(%scan3A_181 = %get3A_53, %scan3A_182 = %iota3A) -> (vector<16xf32>, vector<16xi32>)  : i32 {
          %mul3A_183 = arith.constant 16 : i32
          %mul3A_184 = arith.muli %mul3A_183, %scan3A_180 : i32
          %get3A_185 = arith.index_cast %add3A_50 : i32 to index
          %get3A_186 = arith.index_cast %mul3A_184 : i32 to index
          %get3A_187 = tpu.vector_load %arg4[%get3A_185, %get3A_186] {strides = array<i32>} : memref<48x1024xf32, #tpu.memory_space<vmem>>, vector<1x16xf32>,
          %get3A_188 = vector.shape_cast %get3A_187 : vector<1x16xf32> to vector<16xf32>
          %gt3A = arith.cmpf ogt, %get3A_188, %scan3A_181 : vector<16xf32>
          %iota3A_189 = tpu.iota {dimensions = array<i32: 0>} : vector<16xi32>
          %mul3A_190 = arith.constant 16 : i32
          %mul3A_191 = arith.muli %mul3A_190, %scan3A_180 : i32
          %add3A_192 = vector.broadcast %mul3A_191 : i32 to vector<16xi32>
          %add3A_193 = arith.addi %iota3A_189, %add3A_192 : vector<16xi32>
          %select_n3A_194 = arith.select %gt3A, %get3A_188, %scan3A_181 : vector<16xi1>, vector<16xf32>
          %select_n3A_195 = arith.select %gt3A, %add3A_193, %scan3A_182 : vector<16xi1>, vector<16xi32>
          scf.yield %select_n3A_194, %select_n3A_195 : vector<16xf32>, vector<16xi32>
        }
        %scan3A_59 = arith.constant 63 : i32
        %iota3A_60 = tpu.iota {dimensions = array<i32: 0>} : vector<16xi32>
        %xor3A = arith.constant 8 : i32
        %xor3A_61 = vector.broadcast %xor3A : i32 to vector<16xi32>
        %xor3A_62 = arith.xori %iota3A_60, %xor3A_61 : vector<16xi32>
        %lt3A = arith.constant 0 : i32
        %lt3A_63 = vector.broadcast %lt3A : i32 to vector<16xi32>
        %lt3A_64 = arith.cmpi slt, %xor3A_62, %lt3A_63 : vector<16xi32>
        %add3A_65 = arith.constant 16 : i32
        %add3A_66 = vector.broadcast %add3A_65 : i32 to vector<16xi32>
        %add3A_67 = arith.addi %xor3A_62, %add3A_66 : vector<16xi32>
        %select_n3A = arith.select %lt3A_64, %add3A_67, %xor3A_62 : vector<16xi1>, vector<16xi32>
        %broadcast_in_dim3A_68 = vector.shape_cast %select_n3A : vector<16xi32> to vector<16x1xi32>
        %gather3A = vector.shape_cast %broadcast_in_dim3A_68 : vector<16x1xi32> to vector<16xi32>
        %gather3A_69 = tpu.dynamic_gather %scan3A_58#0[%gather3A] in [0] : vector<16xf32>, vector<16xi32> -> vector<16xf32>
        %max3A = arith.maximumf %scan3A_58#0, %gather3A_69 : vector<16xf32>
        %iota3A_70 = tpu.iota {dimensions = array<i32: 0>} : vector<16xi32>
        %xor3A_71 = arith.constant 4 : i32
        %xor3A_72 = vector.broadcast %xor3A_71 : i32 to vector<16xi32>
        %xor3A_73 = arith.xori %iota3A_70, %xor3A_72 : vector<16xi32>
        %lt3A_74 = arith.constant 0 : i32
        %lt3A_75 = vector.broadcast %lt3A_74 : i32 to vector<16xi32>
        %lt3A_76 = arith.cmpi slt, %xor3A_73, %lt3A_75 : vector<16xi32>
        %add3A_77 = arith.constant 16 : i32
        %add3A_78 = vector.broadcast %add3A_77 : i32 to vector<16xi32>
        %add3A_79 = arith.addi %xor3A_73, %add3A_78 : vector<16xi32>
        %select_n3A_80 = arith.select %lt3A_76, %add3A_79, %xor3A_73 : vector<16xi1>, vector<16xi32>
        %broadcast_in_dim3A_81 = vector.shape_cast %select_n3A_80 : vector<16xi32> to vector<16x1xi32>
        %gather3A_82 = vector.shape_cast %broadcast_in_dim3A_81 : vector<16x1xi32> to vector<16xi32>
        %gather3A_83 = tpu.dynamic_gather %max3A[%gather3A_82] in [0] : vector<16xf32>, vector<16xi32> -> vector<16xf32>
        %max3A_84 = arith.maximumf %max3A, %gather3A_83 : vector<16xf32>
        %iota3A_85 = tpu.iota {dimensions = array<i32: 0>} : vector<16xi32>
        %xor3A_86 = arith.constant 2 : i32
        %xor3A_87 = vector.broadcast %xor3A_86 : i32 to vector<16xi32>
        %xor3A_88 = arith.xori %iota3A_85, %xor3A_87 : vector<16xi32>
        %lt3A_89 = arith.constant 0 : i32
        %lt3A_90 = vector.broadcast %lt3A_89 : i32 to vector<16xi32>
        %lt3A_91 = arith.cmpi slt, %xor3A_88, %lt3A_90 : vector<16xi32>
        %add3A_92 = arith.constant 16 : i32
        %add3A_93 = vector.broadcast %add3A_92 : i32 to vector<16xi32>
        %add3A_94 = arith.addi %xor3A_88, %add3A_93 : vector<16xi32>
        %select_n3A_95 = arith.select %lt3A_91, %add3A_94, %xor3A_88 : vector<16xi1>, vector<16xi32>
        %broadcast_in_dim3A_96 = vector.shape_cast %select_n3A_95 : vector<16xi32> to vector<16x1xi32>
        %gather3A_97 = vector.shape_cast %broadcast_in_dim3A_96 : vector<16x1xi32> to vector<16xi32>
        %gather3A_98 = tpu.dynamic_gather %max3A_84[%gather3A_97] in [0] : vector<16xf32>, vector<16xi32> -> vector<16xf32>
        %max3A_99 = arith.maximumf %max3A_84, %gather3A_98 : vector<16xf32>
        %iota3A_100 = tpu.iota {dimensions = array<i32: 0>} : vector<16xi32>
        %xor3A_101 = arith.constant 1 : i32
        %xor3A_102 = vector.broadcast %xor3A_101 : i32 to vector<16xi32>
        %xor3A_103 = arith.xori %iota3A_100, %xor3A_102 : vector<16xi32>
        %lt3A_104 = arith.constant 0 : i32
        %lt3A_105 = vector.broadcast %lt3A_104 : i32 to vector<16xi32>
        %lt3A_106 = arith.cmpi slt, %xor3A_103, %lt3A_105 : vector<16xi32>
        %add3A_107 = arith.constant 16 : i32
        %add3A_108 = vector.broadcast %add3A_107 : i32 to vector<16xi32>
        %add3A_109 = arith.addi %xor3A_103, %add3A_108 : vector<16xi32>
        %select_n3A_110 = arith.select %lt3A_106, %add3A_109, %xor3A_103 : vector<16xi1>, vector<16xi32>
        %broadcast_in_dim3A_111 = vector.shape_cast %select_n3A_110 : vector<16xi32> to vector<16x1xi32>
        %gather3A_112 = vector.shape_cast %broadcast_in_dim3A_111 : vector<16x1xi32> to vector<16xi32>
        %gather3A_113 = tpu.dynamic_gather %max3A_99[%gather3A_112] in [0] : vector<16xf32>, vector<16xi32> -> vector<16xf32>
        %max3A_114 = arith.maximumf %max3A_99, %gather3A_113 : vector<16xf32>
        %eq3A = arith.cmpf oeq, %scan3A_58#0, %max3A_114 : vector<16xf32>
        %jit3A = arith.constant 1048576 : i32
        %broadcast_in_dim3A_115 = vector.broadcast %jit3A : i32 to vector<16xi32>
        %select_n3A_116 = arith.select %eq3A, %scan3A_58#1, %broadcast_in_dim3A_115 : vector<16xi1>, vector<16xi32>
        %iota3A_117 = tpu.iota {dimensions = array<i32: 0>} : vector<16xi32>
        %xor3A_118 = arith.constant 8 : i32
        %xor3A_119 = vector.broadcast %xor3A_118 : i32 to vector<16xi32>
        %xor3A_120 = arith.xori %iota3A_117, %xor3A_119 : vector<16xi32>
        %lt3A_121 = arith.constant 0 : i32
        %lt3A_122 = vector.broadcast %lt3A_121 : i32 to vector<16xi32>
        %lt3A_123 = arith.cmpi slt, %xor3A_120, %lt3A_122 : vector<16xi32>
        %add3A_124 = arith.constant 16 : i32
        %add3A_125 = vector.broadcast %add3A_124 : i32 to vector<16xi32>
        %add3A_126 = arith.addi %xor3A_120, %add3A_125 : vector<16xi32>
        %select_n3A_127 = arith.select %lt3A_123, %add3A_126, %xor3A_120 : vector<16xi1>, vector<16xi32>
        %broadcast_in_dim3A_128 = vector.shape_cast %select_n3A_127 : vector<16xi32> to vector<16x1xi32>
        %gather3A_129 = vector.shape_cast %broadcast_in_dim3A_128 : vector<16x1xi32> to vector<16xi32>
        %gather3A_130 = tpu.dynamic_gather %select_n3A_116[%gather3A_129] in [0] : vector<16xi32>, vector<16xi32> -> vector<16xi32>
        %min3A = arith.minsi %select_n3A_116, %gather3A_130 : vector<16xi32>
        %iota3A_131 = tpu.iota {dimensions = array<i32: 0>} : vector<16xi32>
        %xor3A_132 = arith.constant 4 : i32
        %xor3A_133 = vector.broadcast %xor3A_132 : i32 to vector<16xi32>
        %xor3A_134 = arith.xori %iota3A_131, %xor3A_133 : vector<16xi32>
        %lt3A_135 = arith.constant 0 : i32
        %lt3A_136 = vector.broadcast %lt3A_135 : i32 to vector<16xi32>
        %lt3A_137 = arith.cmpi slt, %xor3A_134, %lt3A_136 : vector<16xi32>
        %add3A_138 = arith.constant 16 : i32
        %add3A_139 = vector.broadcast %add3A_138 : i32 to vector<16xi32>
        %add3A_140 = arith.addi %xor3A_134, %add3A_139 : vector<16xi32>
        %select_n3A_141 = arith.select %lt3A_137, %add3A_140, %xor3A_134 : vector<16xi1>, vector<16xi32>
        %broadcast_in_dim3A_142 = vector.shape_cast %select_n3A_141 : vector<16xi32> to vector<16x1xi32>
        %gather3A_143 = vector.shape_cast %broadcast_in_dim3A_142 : vector<16x1xi32> to vector<16xi32>
        %gather3A_144 = tpu.dynamic_gather %min3A[%gather3A_143] in [0] : vector<16xi32>, vector<16xi32> -> vector<16xi32>
        %min3A_145 = arith.minsi %min3A, %gather3A_144 : vector<16xi32>
        %iota3A_146 = tpu.iota {dimensions = array<i32: 0>} : vector<16xi32>
        %xor3A_147 = arith.constant 2 : i32
        %xor3A_148 = vector.broadcast %xor3A_147 : i32 to vector<16xi32>
        %xor3A_149 = arith.xori %iota3A_146, %xor3A_148 : vector<16xi32>
        %lt3A_150 = arith.constant 0 : i32
        %lt3A_151 = vector.broadcast %lt3A_150 : i32 to vector<16xi32>
        %lt3A_152 = arith.cmpi slt, %xor3A_149, %lt3A_151 : vector<16xi32>
        %add3A_153 = arith.constant 16 : i32
        %add3A_154 = vector.broadcast %add3A_153 : i32 to vector<16xi32>
        %add3A_155 = arith.addi %xor3A_149, %add3A_154 : vector<16xi32>
        %select_n3A_156 = arith.select %lt3A_152, %add3A_155, %xor3A_149 : vector<16xi1>, vector<16xi32>
        %broadcast_in_dim3A_157 = vector.shape_cast %select_n3A_156 : vector<16xi32> to vector<16x1xi32>
        %gather3A_158 = vector.shape_cast %broadcast_in_dim3A_157 : vector<16x1xi32> to vector<16xi32>
        %gather3A_159 = tpu.dynamic_gather %min3A_145[%gather3A_158] in [0] : vector<16xi32>, vector<16xi32> -> vector<16xi32>
        %min3A_160 = arith.minsi %min3A_145, %gather3A_159 : vector<16xi32>
        %iota3A_161 = tpu.iota {dimensions = array<i32: 0>} : vector<16xi32>
        %xor3A_162 = arith.constant 1 : i32
        %xor3A_163 = vector.broadcast %xor3A_162 : i32 to vector<16xi32>
        %xor3A_164 = arith.xori %iota3A_161, %xor3A_163 : vector<16xi32>
        %lt3A_165 = arith.constant 0 : i32
        %lt3A_166 = vector.broadcast %lt3A_165 : i32 to vector<16xi32>
        %lt3A_167 = arith.cmpi slt, %xor3A_164, %lt3A_166 : vector<16xi32>
        %add3A_168 = arith.constant 16 : i32
        %add3A_169 = vector.broadcast %add3A_168 : i32 to vector<16xi32>
        %add3A_170 = arith.addi %xor3A_164, %add3A_169 : vector<16xi32>
        %select_n3A_171 = arith.select %lt3A_167, %add3A_170, %xor3A_164 : vector<16xi1>, vector<16xi32>
        %broadcast_in_dim3A_172 = vector.shape_cast %select_n3A_171 : vector<16xi32> to vector<16x1xi32>
        %gather3A_173 = vector.shape_cast %broadcast_in_dim3A_172 : vector<16x1xi32> to vector<16xi32>
        %gather3A_174 = tpu.dynamic_gather %min3A_160[%gather3A_173] in [0] : vector<16xi32>, vector<16xi32> -> vector<16xi32>
        %min3A_175 = arith.minsi %min3A_160, %gather3A_174 : vector<16xi32>
        %iota3A_176 = tpu.iota {dimensions = array<i32: 0>} : vector<16xi32>
        %eq3A_177 = vector.broadcast %scan3A_46 : i32 to vector<16xi32>
        %eq3A_178 = arith.cmpi eq, %iota3A_176, %eq3A_177 : vector<16xi32>
        %select_n3A_179 = arith.select %eq3A_178, %min3A_175, %scan3A_47 : vector<16xi1>, vector<16xi32>
        scf.yield %select_n3A_179 : vector<16xi32>
      }
      %scan3A_37 = arith.constant 16 : i32
      %mul3A_38 = arith.constant 16 : i32
      %mul3A_39 = arith.muli %scan3A_29, %mul3A_38 : i32
      %add3A_40 = arith.constant 0 : i32
      %add3A_41 = arith.addi %add3A_40, %mul3A_39 : i32
      %swap3A = arith.index_cast %add3A_41 : i32 to index
      %swap3A_42 = tpu.vector_load %arg5[%swap3A] {strides = array<i32>} : memref<144xi32, #tpu.memory_space<vmem>>, vector<16xi32>,
      %swap3A_43 = vector.shape_cast %swap3A_42 : vector<16xi32> to vector<16xi32>
      %swap3A_44 = vector.shape_cast %scan3A_36 : vector<16xi32> to vector<16xi32>
      tpu.vector_store %arg5[%swap3A], %swap3A_44 {strides = array<i32>} : memref<144xi32, #tpu.memory_space<vmem>>, vector<16xi32>,
      %scan3A_45 = arith.constant 0 : i32
      scf.yield %scan3A_45 : i32
    }
    %scan3A_10 = arith.constant 3 : i32
    %add3A_11 = arith.constant 48 : i32
    %add3A_12 = arith.addi %mul3A_2, %add3A_11 : i32
    "tpu.region"() ({
      %run_scoped3A = tpu.sem_alloc : memref<!tpu.dma_semaphore, #tpu.memory_space<semaphore_mem>>
      %dma_start3A = arith.constant 0 : i32
      %dma_start3A_29 = tpu.memref_slice %arg2[%add3A_12, %dma_start3A] : memref<4608x1024xf32, #tpu.memory_space<hbm>> -> memref<48x1024xf32, #tpu.memory_space<hbm>>
      %dma_start3A_30 = arith.constant 0 : i32
      %dma_start3A_31 = tpu.memref_slice %arg2[%add3A_12, %dma_start3A_30] : memref<4608x1024xf32, #tpu.memory_space<hbm>> -> memref<48x1024xf32, #tpu.memory_space<hbm>>
      tpu.enqueue_dma source(%dma_start3A_31 : memref<48x1024xf32, #tpu.memory_space<hbm>>) target(%arg4 : memref<48x1024xf32, #tpu.memory_space<vmem>>) target_semaphore(%run_scoped3A : memref<!tpu.dma_semaphore, #tpu.memory_space<semaphore_mem>>)
      %dma_wait3A = arith.constant 0 : i32
      %dma_wait3A_32 = tpu.memref_slice %arg2[%add3A_12, %dma_wait3A] : memref<4608x1024xf32, #tpu.memory_space<hbm>> -> memref<48x1024xf32, #tpu.memory_space<hbm>>
      %dma_wait3A_33 = arith.constant 0 : i32
      %dma_wait3A_34 = tpu.memref_slice %arg2[%add3A_12, %dma_wait3A_33] : memref<4608x1024xf32, #tpu.memory_space<hbm>> -> memref<48x1024xf32, #tpu.memory_space<hbm>>
      tpu.wait_dma2 semaphore(%run_scoped3A : memref<!tpu.dma_semaphore, #tpu.memory_space<semaphore_mem>>) src(%dma_wait3A_34 : memref<48x1024xf32, #tpu.memory_space<hbm>>) dst(%arg4 : memref<48x1024xf32, #tpu.memory_space<vmem>>)
      tpu.yield
    }) : () -> ()
    %scan3A_13 = arith.constant 0 : i32
    %scan3A_14 = arith.constant 0 : i32
    %scan3A_15 = arith.constant 3 : i32
    %scan3A_16 = arith.addi %scan3A_14, %scan3A_15 : i32
    %scan3A_17 = arith.constant 1 : i32
    %scan3A_18 = scf.for %scan3A_29 = %scan3A_14 to %scan3A_16 step %scan3A_17 iter_args(%scan3A_30 = %scan3A_13) -> (i32)  : i32 {
      %broadcast_in_dim3A = arith.constant 0 : i32
      %broadcast_in_dim3A_31 = vector.broadcast %broadcast_in_dim3A : i32 to vector<16xi32>
      %scan3A_32 = arith.constant 0 : i32
      %scan3A_33 = arith.constant 16 : i32
      %scan3A_34 = arith.addi %scan3A_32, %scan3A_33 : i32
      %scan3A_35 = arith.constant 1 : i32
      %scan3A_36 = scf.for %scan3A_46 = %scan3A_32 to %scan3A_34 step %scan3A_35 iter_args(%scan3A_47 = %broadcast_in_dim3A_31) -> (vector<16xi32>)  : i32 {
        %mul3A_48 = arith.constant 16 : i32
        %mul3A_49 = arith.muli %scan3A_29, %mul3A_48 : i32
        %add3A_50 = arith.addi %mul3A_49, %scan3A_46 : i32
        %get3A = arith.index_cast %add3A_50 : i32 to index
        %get3A_51 = arith.constant 0 : index
        %get3A_52 = tpu.vector_load %arg4[%get3A, %get3A_51] {strides = array<i32>} : memref<48x1024xf32, #tpu.memory_space<vmem>>, vector<1x16xf32>,
        %get3A_53 = vector.shape_cast %get3A_52 : vector<1x16xf32> to vector<16xf32>
        %iota3A = tpu.iota {dimensions = array<i32: 0>} : vector<16xi32>
        %scan3A_54 = arith.constant 1 : i32
        %scan3A_55 = arith.constant 63 : i32
        %scan3A_56 = arith.addi %scan3A_54, %scan3A_55 : i32
        %scan3A_57 = arith.constant 1 : i32
        %scan3A_58:2 = scf.for %scan3A_180 = %scan3A_54 to %scan3A_56 step %scan3A_57 iter_args(%scan3A_181 = %get3A_53, %scan3A_182 = %iota3A) -> (vector<16xf32>, vector<16xi32>)  : i32 {
          %mul3A_183 = arith.constant 16 : i32
          %mul3A_184 = arith.muli %mul3A_183, %scan3A_180 : i32
          %get3A_185 = arith.index_cast %add3A_50 : i32 to index
          %get3A_186 = arith.index_cast %mul3A_184 : i32 to index
          %get3A_187 = tpu.vector_load %arg4[%get3A_185, %get3A_186] {strides = array<i32>} : memref<48x1024xf32, #tpu.memory_space<vmem>>, vector<1x16xf32>,
          %get3A_188 = vector.shape_cast %get3A_187 : vector<1x16xf32> to vector<16xf32>
          %gt3A = arith.cmpf ogt, %get3A_188, %scan3A_181 : vector<16xf32>
          %iota3A_189 = tpu.iota {dimensions = array<i32: 0>} : vector<16xi32>
          %mul3A_190 = arith.constant 16 : i32
          %mul3A_191 = arith.muli %mul3A_190, %scan3A_180 : i32
          %add3A_192 = vector.broadcast %mul3A_191 : i32 to vector<16xi32>
          %add3A_193 = arith.addi %iota3A_189, %add3A_192 : vector<16xi32>
          %select_n3A_194 = arith.select %gt3A, %get3A_188, %scan3A_181 : vector<16xi1>, vector<16xf32>
          %select_n3A_195 = arith.select %gt3A, %add3A_193, %scan3A_182 : vector<16xi1>, vector<16xi32>
          scf.yield %select_n3A_194, %select_n3A_195 : vector<16xf32>, vector<16xi32>
        }
        %scan3A_59 = arith.constant 63 : i32
        %iota3A_60 = tpu.iota {dimensions = array<i32: 0>} : vector<16xi32>
        %xor3A = arith.constant 8 : i32
        %xor3A_61 = vector.broadcast %xor3A : i32 to vector<16xi32>
        %xor3A_62 = arith.xori %iota3A_60, %xor3A_61 : vector<16xi32>
        %lt3A = arith.constant 0 : i32
        %lt3A_63 = vector.broadcast %lt3A : i32 to vector<16xi32>
        %lt3A_64 = arith.cmpi slt, %xor3A_62, %lt3A_63 : vector<16xi32>
        %add3A_65 = arith.constant 16 : i32
        %add3A_66 = vector.broadcast %add3A_65 : i32 to vector<16xi32>
        %add3A_67 = arith.addi %xor3A_62, %add3A_66 : vector<16xi32>
        %select_n3A = arith.select %lt3A_64, %add3A_67, %xor3A_62 : vector<16xi1>, vector<16xi32>
        %broadcast_in_dim3A_68 = vector.shape_cast %select_n3A : vector<16xi32> to vector<16x1xi32>
        %gather3A = vector.shape_cast %broadcast_in_dim3A_68 : vector<16x1xi32> to vector<16xi32>
        %gather3A_69 = tpu.dynamic_gather %scan3A_58#0[%gather3A] in [0] : vector<16xf32>, vector<16xi32> -> vector<16xf32>
        %max3A = arith.maximumf %scan3A_58#0, %gather3A_69 : vector<16xf32>
        %iota3A_70 = tpu.iota {dimensions = array<i32: 0>} : vector<16xi32>
        %xor3A_71 = arith.constant 4 : i32
        %xor3A_72 = vector.broadcast %xor3A_71 : i32 to vector<16xi32>
        %xor3A_73 = arith.xori %iota3A_70, %xor3A_72 : vector<16xi32>
        %lt3A_74 = arith.constant 0 : i32
        %lt3A_75 = vector.broadcast %lt3A_74 : i32 to vector<16xi32>
        %lt3A_76 = arith.cmpi slt, %xor3A_73, %lt3A_75 : vector<16xi32>
        %add3A_77 = arith.constant 16 : i32
        %add3A_78 = vector.broadcast %add3A_77 : i32 to vector<16xi32>
        %add3A_79 = arith.addi %xor3A_73, %add3A_78 : vector<16xi32>
        %select_n3A_80 = arith.select %lt3A_76, %add3A_79, %xor3A_73 : vector<16xi1>, vector<16xi32>
        %broadcast_in_dim3A_81 = vector.shape_cast %select_n3A_80 : vector<16xi32> to vector<16x1xi32>
        %gather3A_82 = vector.shape_cast %broadcast_in_dim3A_81 : vector<16x1xi32> to vector<16xi32>
        %gather3A_83 = tpu.dynamic_gather %max3A[%gather3A_82] in [0] : vector<16xf32>, vector<16xi32> -> vector<16xf32>
        %max3A_84 = arith.maximumf %max3A, %gather3A_83 : vector<16xf32>
        %iota3A_85 = tpu.iota {dimensions = array<i32: 0>} : vector<16xi32>
        %xor3A_86 = arith.constant 2 : i32
        %xor3A_87 = vector.broadcast %xor3A_86 : i32 to vector<16xi32>
        %xor3A_88 = arith.xori %iota3A_85, %xor3A_87 : vector<16xi32>
        %lt3A_89 = arith.constant 0 : i32
        %lt3A_90 = vector.broadcast %lt3A_89 : i32 to vector<16xi32>
        %lt3A_91 = arith.cmpi slt, %xor3A_88, %lt3A_90 : vector<16xi32>
        %add3A_92 = arith.constant 16 : i32
        %add3A_93 = vector.broadcast %add3A_92 : i32 to vector<16xi32>
        %add3A_94 = arith.addi %xor3A_88, %add3A_93 : vector<16xi32>
        %select_n3A_95 = arith.select %lt3A_91, %add3A_94, %xor3A_88 : vector<16xi1>, vector<16xi32>
        %broadcast_in_dim3A_96 = vector.shape_cast %select_n3A_95 : vector<16xi32> to vector<16x1xi32>
        %gather3A_97 = vector.shape_cast %broadcast_in_dim3A_96 : vector<16x1xi32> to vector<16xi32>
        %gather3A_98 = tpu.dynamic_gather %max3A_84[%gather3A_97] in [0] : vector<16xf32>, vector<16xi32> -> vector<16xf32>
        %max3A_99 = arith.maximumf %max3A_84, %gather3A_98 : vector<16xf32>
        %iota3A_100 = tpu.iota {dimensions = array<i32: 0>} : vector<16xi32>
        %xor3A_101 = arith.constant 1 : i32
        %xor3A_102 = vector.broadcast %xor3A_101 : i32 to vector<16xi32>
        %xor3A_103 = arith.xori %iota3A_100, %xor3A_102 : vector<16xi32>
        %lt3A_104 = arith.constant 0 : i32
        %lt3A_105 = vector.broadcast %lt3A_104 : i32 to vector<16xi32>
        %lt3A_106 = arith.cmpi slt, %xor3A_103, %lt3A_105 : vector<16xi32>
        %add3A_107 = arith.constant 16 : i32
        %add3A_108 = vector.broadcast %add3A_107 : i32 to vector<16xi32>
        %add3A_109 = arith.addi %xor3A_103, %add3A_108 : vector<16xi32>
        %select_n3A_110 = arith.select %lt3A_106, %add3A_109, %xor3A_103 : vector<16xi1>, vector<16xi32>
        %broadcast_in_dim3A_111 = vector.shape_cast %select_n3A_110 : vector<16xi32> to vector<16x1xi32>
        %gather3A_112 = vector.shape_cast %broadcast_in_dim3A_111 : vector<16x1xi32> to vector<16xi32>
        %gather3A_113 = tpu.dynamic_gather %max3A_99[%gather3A_112] in [0] : vector<16xf32>, vector<16xi32> -> vector<16xf32>
        %max3A_114 = arith.maximumf %max3A_99, %gather3A_113 : vector<16xf32>
        %eq3A = arith.cmpf oeq, %scan3A_58#0, %max3A_114 : vector<16xf32>
        %jit3A = arith.constant 1048576 : i32
        %broadcast_in_dim3A_115 = vector.broadcast %jit3A : i32 to vector<16xi32>
        %select_n3A_116 = arith.select %eq3A, %scan3A_58#1, %broadcast_in_dim3A_115 : vector<16xi1>, vector<16xi32>
        %iota3A_117 = tpu.iota {dimensions = array<i32: 0>} : vector<16xi32>
        %xor3A_118 = arith.constant 8 : i32
        %xor3A_119 = vector.broadcast %xor3A_118 : i32 to vector<16xi32>
        %xor3A_120 = arith.xori %iota3A_117, %xor3A_119 : vector<16xi32>
        %lt3A_121 = arith.constant 0 : i32
        %lt3A_122 = vector.broadcast %lt3A_121 : i32 to vector<16xi32>
        %lt3A_123 = arith.cmpi slt, %xor3A_120, %lt3A_122 : vector<16xi32>
        %add3A_124 = arith.constant 16 : i32
        %add3A_125 = vector.broadcast %add3A_124 : i32 to vector<16xi32>
        %add3A_126 = arith.addi %xor3A_120, %add3A_125 : vector<16xi32>
        %select_n3A_127 = arith.select %lt3A_123, %add3A_126, %xor3A_120 : vector<16xi1>, vector<16xi32>
        %broadcast_in_dim3A_128 = vector.shape_cast %select_n3A_127 : vector<16xi32> to vector<16x1xi32>
        %gather3A_129 = vector.shape_cast %broadcast_in_dim3A_128 : vector<16x1xi32> to vector<16xi32>
        %gather3A_130 = tpu.dynamic_gather %select_n3A_116[%gather3A_129] in [0] : vector<16xi32>, vector<16xi32> -> vector<16xi32>
        %min3A = arith.minsi %select_n3A_116, %gather3A_130 : vector<16xi32>
        %iota3A_131 = tpu.iota {dimensions = array<i32: 0>} : vector<16xi32>
        %xor3A_132 = arith.constant 4 : i32
        %xor3A_133 = vector.broadcast %xor3A_132 : i32 to vector<16xi32>
        %xor3A_134 = arith.xori %iota3A_131, %xor3A_133 : vector<16xi32>
        %lt3A_135 = arith.constant 0 : i32
        %lt3A_136 = vector.broadcast %lt3A_135 : i32 to vector<16xi32>
        %lt3A_137 = arith.cmpi slt, %xor3A_134, %lt3A_136 : vector<16xi32>
        %add3A_138 = arith.constant 16 : i32
        %add3A_139 = vector.broadcast %add3A_138 : i32 to vector<16xi32>
        %add3A_140 = arith.addi %xor3A_134, %add3A_139 : vector<16xi32>
        %select_n3A_141 = arith.select %lt3A_137, %add3A_140, %xor3A_134 : vector<16xi1>, vector<16xi32>
        %broadcast_in_dim3A_142 = vector.shape_cast %select_n3A_141 : vector<16xi32> to vector<16x1xi32>
        %gather3A_143 = vector.shape_cast %broadcast_in_dim3A_142 : vector<16x1xi32> to vector<16xi32>
        %gather3A_144 = tpu.dynamic_gather %min3A[%gather3A_143] in [0] : vector<16xi32>, vector<16xi32> -> vector<16xi32>
        %min3A_145 = arith.minsi %min3A, %gather3A_144 : vector<16xi32>
        %iota3A_146 = tpu.iota {dimensions = array<i32: 0>} : vector<16xi32>
        %xor3A_147 = arith.constant 2 : i32
        %xor3A_148 = vector.broadcast %xor3A_147 : i32 to vector<16xi32>
        %xor3A_149 = arith.xori %iota3A_146, %xor3A_148 : vector<16xi32>
        %lt3A_150 = arith.constant 0 : i32
        %lt3A_151 = vector.broadcast %lt3A_150 : i32 to vector<16xi32>
        %lt3A_152 = arith.cmpi slt, %xor3A_149, %lt3A_151 : vector<16xi32>
        %add3A_153 = arith.constant 16 : i32
        %add3A_154 = vector.broadcast %add3A_153 : i32 to vector<16xi32>
        %add3A_155 = arith.addi %xor3A_149, %add3A_154 : vector<16xi32>
        %select_n3A_156 = arith.select %lt3A_152, %add3A_155, %xor3A_149 : vector<16xi1>, vector<16xi32>
        %broadcast_in_dim3A_157 = vector.shape_cast %select_n3A_156 : vector<16xi32> to vector<16x1xi32>
        %gather3A_158 = vector.shape_cast %broadcast_in_dim3A_157 : vector<16x1xi32> to vector<16xi32>
        %gather3A_159 = tpu.dynamic_gather %min3A_145[%gather3A_158] in [0] : vector<16xi32>, vector<16xi32> -> vector<16xi32>
        %min3A_160 = arith.minsi %min3A_145, %gather3A_159 : vector<16xi32>
        %iota3A_161 = tpu.iota {dimensions = array<i32: 0>} : vector<16xi32>
        %xor3A_162 = arith.constant 1 : i32
        %xor3A_163 = vector.broadcast %xor3A_162 : i32 to vector<16xi32>
        %xor3A_164 = arith.xori %iota3A_161, %xor3A_163 : vector<16xi32>
        %lt3A_165 = arith.constant 0 : i32
        %lt3A_166 = vector.broadcast %lt3A_165 : i32 to vector<16xi32>
        %lt3A_167 = arith.cmpi slt, %xor3A_164, %lt3A_166 : vector<16xi32>
        %add3A_168 = arith.constant 16 : i32
        %add3A_169 = vector.broadcast %add3A_168 : i32 to vector<16xi32>
        %add3A_170 = arith.addi %xor3A_164, %add3A_169 : vector<16xi32>
        %select_n3A_171 = arith.select %lt3A_167, %add3A_170, %xor3A_164 : vector<16xi1>, vector<16xi32>
        %broadcast_in_dim3A_172 = vector.shape_cast %select_n3A_171 : vector<16xi32> to vector<16x1xi32>
        %gather3A_173 = vector.shape_cast %broadcast_in_dim3A_172 : vector<16x1xi32> to vector<16xi32>
        %gather3A_174 = tpu.dynamic_gather %min3A_160[%gather3A_173] in [0] : vector<16xi32>, vector<16xi32> -> vector<16xi32>
        %min3A_175 = arith.minsi %min3A_160, %gather3A_174 : vector<16xi32>
        %iota3A_176 = tpu.iota {dimensions = array<i32: 0>} : vector<16xi32>
        %eq3A_177 = vector.broadcast %scan3A_46 : i32 to vector<16xi32>
        %eq3A_178 = arith.cmpi eq, %iota3A_176, %eq3A_177 : vector<16xi32>
        %select_n3A_179 = arith.select %eq3A_178, %min3A_175, %scan3A_47 : vector<16xi1>, vector<16xi32>
        scf.yield %select_n3A_179 : vector<16xi32>
      }
      %scan3A_37 = arith.constant 16 : i32
      %mul3A_38 = arith.constant 16 : i32
      %mul3A_39 = arith.muli %scan3A_29, %mul3A_38 : i32
      %add3A_40 = arith.constant 48 : i32
      %add3A_41 = arith.addi %add3A_40, %mul3A_39 : i32
      %swap3A = arith.index_cast %add3A_41 : i32 to index
      %swap3A_42 = tpu.vector_load %arg5[%swap3A] {strides = array<i32>} : memref<144xi32, #tpu.memory_space<vmem>>, vector<16xi32>,
      %swap3A_43 = vector.shape_cast %swap3A_42 : vector<16xi32> to vector<16xi32>
      %swap3A_44 = vector.shape_cast %scan3A_36 : vector<16xi32> to vector<16xi32>
      tpu.vector_store %arg5[%swap3A], %swap3A_44 {strides = array<i32>} : memref<144xi32, #tpu.memory_space<vmem>>, vector<16xi32>,
      %scan3A_45 = arith.constant 0 : i32
      scf.yield %scan3A_45 : i32
    }
    %scan3A_19 = arith.constant 3 : i32
    %add3A_20 = arith.constant 96 : i32
    %add3A_21 = arith.addi %mul3A_2, %add3A_20 : i32
    "tpu.region"() ({
      %run_scoped3A = tpu.sem_alloc : memref<!tpu.dma_semaphore, #tpu.memory_space<semaphore_mem>>
      %dma_start3A = arith.constant 0 : i32
      %dma_start3A_29 = tpu.memref_slice %arg2[%add3A_21, %dma_start3A] : memref<4608x1024xf32, #tpu.memory_space<hbm>> -> memref<48x1024xf32, #tpu.memory_space<hbm>>
      %dma_start3A_30 = arith.constant 0 : i32
      %dma_start3A_31 = tpu.memref_slice %arg2[%add3A_21, %dma_start3A_30] : memref<4608x1024xf32, #tpu.memory_space<hbm>> -> memref<48x1024xf32, #tpu.memory_space<hbm>>
      tpu.enqueue_dma source(%dma_start3A_31 : memref<48x1024xf32, #tpu.memory_space<hbm>>) target(%arg4 : memref<48x1024xf32, #tpu.memory_space<vmem>>) target_semaphore(%run_scoped3A : memref<!tpu.dma_semaphore, #tpu.memory_space<semaphore_mem>>)
      %dma_wait3A = arith.constant 0 : i32
      %dma_wait3A_32 = tpu.memref_slice %arg2[%add3A_21, %dma_wait3A] : memref<4608x1024xf32, #tpu.memory_space<hbm>> -> memref<48x1024xf32, #tpu.memory_space<hbm>>
      %dma_wait3A_33 = arith.constant 0 : i32
      %dma_wait3A_34 = tpu.memref_slice %arg2[%add3A_21, %dma_wait3A_33] : memref<4608x1024xf32, #tpu.memory_space<hbm>> -> memref<48x1024xf32, #tpu.memory_space<hbm>>
      tpu.wait_dma2 semaphore(%run_scoped3A : memref<!tpu.dma_semaphore, #tpu.memory_space<semaphore_mem>>) src(%dma_wait3A_34 : memref<48x1024xf32, #tpu.memory_space<hbm>>) dst(%arg4 : memref<48x1024xf32, #tpu.memory_space<vmem>>)
      tpu.yield
    }) : () -> ()
    %scan3A_22 = arith.constant 0 : i32
    %scan3A_23 = arith.constant 0 : i32
    %scan3A_24 = arith.constant 3 : i32
    %scan3A_25 = arith.addi %scan3A_23, %scan3A_24 : i32
    %scan3A_26 = arith.constant 1 : i32
    %scan3A_27 = scf.for %scan3A_29 = %scan3A_23 to %scan3A_25 step %scan3A_26 iter_args(%scan3A_30 = %scan3A_22) -> (i32)  : i32 {
      %broadcast_in_dim3A = arith.constant 0 : i32
      %broadcast_in_dim3A_31 = vector.broadcast %broadcast_in_dim3A : i32 to vector<16xi32>
      %scan3A_32 = arith.constant 0 : i32
      %scan3A_33 = arith.constant 16 : i32
      %scan3A_34 = arith.addi %scan3A_32, %scan3A_33 : i32
      %scan3A_35 = arith.constant 1 : i32
      %scan3A_36 = scf.for %scan3A_46 = %scan3A_32 to %scan3A_34 step %scan3A_35 iter_args(%scan3A_47 = %broadcast_in_dim3A_31) -> (vector<16xi32>)  : i32 {
        %mul3A_48 = arith.constant 16 : i32
        %mul3A_49 = arith.muli %scan3A_29, %mul3A_48 : i32
        %add3A_50 = arith.addi %mul3A_49, %scan3A_46 : i32
        %get3A = arith.index_cast %add3A_50 : i32 to index
        %get3A_51 = arith.constant 0 : index
        %get3A_52 = tpu.vector_load %arg4[%get3A, %get3A_51] {strides = array<i32>} : memref<48x1024xf32, #tpu.memory_space<vmem>>, vector<1x16xf32>,
        %get3A_53 = vector.shape_cast %get3A_52 : vector<1x16xf32> to vector<16xf32>
        %iota3A = tpu.iota {dimensions = array<i32: 0>} : vector<16xi32>
        %scan3A_54 = arith.constant 1 : i32
        %scan3A_55 = arith.constant 63 : i32
        %scan3A_56 = arith.addi %scan3A_54, %scan3A_55 : i32
        %scan3A_57 = arith.constant 1 : i32
        %scan3A_58:2 = scf.for %scan3A_180 = %scan3A_54 to %scan3A_56 step %scan3A_57 iter_args(%scan3A_181 = %get3A_53, %scan3A_182 = %iota3A) -> (vector<16xf32>, vector<16xi32>)  : i32 {
          %mul3A_183 = arith.constant 16 : i32
          %mul3A_184 = arith.muli %mul3A_183, %scan3A_180 : i32
          %get3A_185 = arith.index_cast %add3A_50 : i32 to index
          %get3A_186 = arith.index_cast %mul3A_184 : i32 to index
          %get3A_187 = tpu.vector_load %arg4[%get3A_185, %get3A_186] {strides = array<i32>} : memref<48x1024xf32, #tpu.memory_space<vmem>>, vector<1x16xf32>,
          %get3A_188 = vector.shape_cast %get3A_187 : vector<1x16xf32> to vector<16xf32>
          %gt3A = arith.cmpf ogt, %get3A_188, %scan3A_181 : vector<16xf32>
          %iota3A_189 = tpu.iota {dimensions = array<i32: 0>} : vector<16xi32>
          %mul3A_190 = arith.constant 16 : i32
          %mul3A_191 = arith.muli %mul3A_190, %scan3A_180 : i32
          %add3A_192 = vector.broadcast %mul3A_191 : i32 to vector<16xi32>
          %add3A_193 = arith.addi %iota3A_189, %add3A_192 : vector<16xi32>
          %select_n3A_194 = arith.select %gt3A, %get3A_188, %scan3A_181 : vector<16xi1>, vector<16xf32>
          %select_n3A_195 = arith.select %gt3A, %add3A_193, %scan3A_182 : vector<16xi1>, vector<16xi32>
          scf.yield %select_n3A_194, %select_n3A_195 : vector<16xf32>, vector<16xi32>
        }
        %scan3A_59 = arith.constant 63 : i32
        %iota3A_60 = tpu.iota {dimensions = array<i32: 0>} : vector<16xi32>
        %xor3A = arith.constant 8 : i32
        %xor3A_61 = vector.broadcast %xor3A : i32 to vector<16xi32>
        %xor3A_62 = arith.xori %iota3A_60, %xor3A_61 : vector<16xi32>
        %lt3A = arith.constant 0 : i32
        %lt3A_63 = vector.broadcast %lt3A : i32 to vector<16xi32>
        %lt3A_64 = arith.cmpi slt, %xor3A_62, %lt3A_63 : vector<16xi32>
        %add3A_65 = arith.constant 16 : i32
        %add3A_66 = vector.broadcast %add3A_65 : i32 to vector<16xi32>
        %add3A_67 = arith.addi %xor3A_62, %add3A_66 : vector<16xi32>
        %select_n3A = arith.select %lt3A_64, %add3A_67, %xor3A_62 : vector<16xi1>, vector<16xi32>
        %broadcast_in_dim3A_68 = vector.shape_cast %select_n3A : vector<16xi32> to vector<16x1xi32>
        %gather3A = vector.shape_cast %broadcast_in_dim3A_68 : vector<16x1xi32> to vector<16xi32>
        %gather3A_69 = tpu.dynamic_gather %scan3A_58#0[%gather3A] in [0] : vector<16xf32>, vector<16xi32> -> vector<16xf32>
        %max3A = arith.maximumf %scan3A_58#0, %gather3A_69 : vector<16xf32>
        %iota3A_70 = tpu.iota {dimensions = array<i32: 0>} : vector<16xi32>
        %xor3A_71 = arith.constant 4 : i32
        %xor3A_72 = vector.broadcast %xor3A_71 : i32 to vector<16xi32>
        %xor3A_73 = arith.xori %iota3A_70, %xor3A_72 : vector<16xi32>
        %lt3A_74 = arith.constant 0 : i32
        %lt3A_75 = vector.broadcast %lt3A_74 : i32 to vector<16xi32>
        %lt3A_76 = arith.cmpi slt, %xor3A_73, %lt3A_75 : vector<16xi32>
        %add3A_77 = arith.constant 16 : i32
        %add3A_78 = vector.broadcast %add3A_77 : i32 to vector<16xi32>
        %add3A_79 = arith.addi %xor3A_73, %add3A_78 : vector<16xi32>
        %select_n3A_80 = arith.select %lt3A_76, %add3A_79, %xor3A_73 : vector<16xi1>, vector<16xi32>
        %broadcast_in_dim3A_81 = vector.shape_cast %select_n3A_80 : vector<16xi32> to vector<16x1xi32>
        %gather3A_82 = vector.shape_cast %broadcast_in_dim3A_81 : vector<16x1xi32> to vector<16xi32>
        %gather3A_83 = tpu.dynamic_gather %max3A[%gather3A_82] in [0] : vector<16xf32>, vector<16xi32> -> vector<16xf32>
        %max3A_84 = arith.maximumf %max3A, %gather3A_83 : vector<16xf32>
        %iota3A_85 = tpu.iota {dimensions = array<i32: 0>} : vector<16xi32>
        %xor3A_86 = arith.constant 2 : i32
        %xor3A_87 = vector.broadcast %xor3A_86 : i32 to vector<16xi32>
        %xor3A_88 = arith.xori %iota3A_85, %xor3A_87 : vector<16xi32>
        %lt3A_89 = arith.constant 0 : i32
        %lt3A_90 = vector.broadcast %lt3A_89 : i32 to vector<16xi32>
        %lt3A_91 = arith.cmpi slt, %xor3A_88, %lt3A_90 : vector<16xi32>
        %add3A_92 = arith.constant 16 : i32
        %add3A_93 = vector.broadcast %add3A_92 : i32 to vector<16xi32>
        %add3A_94 = arith.addi %xor3A_88, %add3A_93 : vector<16xi32>
        %select_n3A_95 = arith.select %lt3A_91, %add3A_94, %xor3A_88 : vector<16xi1>, vector<16xi32>
        %broadcast_in_dim3A_96 = vector.shape_cast %select_n3A_95 : vector<16xi32> to vector<16x1xi32>
        %gather3A_97 = vector.shape_cast %broadcast_in_dim3A_96 : vector<16x1xi32> to vector<16xi32>
        %gather3A_98 = tpu.dynamic_gather %max3A_84[%gather3A_97] in [0] : vector<16xf32>, vector<16xi32> -> vector<16xf32>
        %max3A_99 = arith.maximumf %max3A_84, %gather3A_98 : vector<16xf32>
        %iota3A_100 = tpu.iota {dimensions = array<i32: 0>} : vector<16xi32>
        %xor3A_101 = arith.constant 1 : i32
        %xor3A_102 = vector.broadcast %xor3A_101 : i32 to vector<16xi32>
        %xor3A_103 = arith.xori %iota3A_100, %xor3A_102 : vector<16xi32>
        %lt3A_104 = arith.constant 0 : i32
        %lt3A_105 = vector.broadcast %lt3A_104 : i32 to vector<16xi32>
        %lt3A_106 = arith.cmpi slt, %xor3A_103, %lt3A_105 : vector<16xi32>
        %add3A_107 = arith.constant 16 : i32
        %add3A_108 = vector.broadcast %add3A_107 : i32 to vector<16xi32>
        %add3A_109 = arith.addi %xor3A_103, %add3A_108 : vector<16xi32>
        %select_n3A_110 = arith.select %lt3A_106, %add3A_109, %xor3A_103 : vector<16xi1>, vector<16xi32>
        %broadcast_in_dim3A_111 = vector.shape_cast %select_n3A_110 : vector<16xi32> to vector<16x1xi32>
        %gather3A_112 = vector.shape_cast %broadcast_in_dim3A_111 : vector<16x1xi32> to vector<16xi32>
        %gather3A_113 = tpu.dynamic_gather %max3A_99[%gather3A_112] in [0] : vector<16xf32>, vector<16xi32> -> vector<16xf32>
        %max3A_114 = arith.maximumf %max3A_99, %gather3A_113 : vector<16xf32>
        %eq3A = arith.cmpf oeq, %scan3A_58#0, %max3A_114 : vector<16xf32>
        %jit3A = arith.constant 1048576 : i32
        %broadcast_in_dim3A_115 = vector.broadcast %jit3A : i32 to vector<16xi32>
        %select_n3A_116 = arith.select %eq3A, %scan3A_58#1, %broadcast_in_dim3A_115 : vector<16xi1>, vector<16xi32>
        %iota3A_117 = tpu.iota {dimensions = array<i32: 0>} : vector<16xi32>
        %xor3A_118 = arith.constant 8 : i32
        %xor3A_119 = vector.broadcast %xor3A_118 : i32 to vector<16xi32>
        %xor3A_120 = arith.xori %iota3A_117, %xor3A_119 : vector<16xi32>
        %lt3A_121 = arith.constant 0 : i32
        %lt3A_122 = vector.broadcast %lt3A_121 : i32 to vector<16xi32>
        %lt3A_123 = arith.cmpi slt, %xor3A_120, %lt3A_122 : vector<16xi32>
        %add3A_124 = arith.constant 16 : i32
        %add3A_125 = vector.broadcast %add3A_124 : i32 to vector<16xi32>
        %add3A_126 = arith.addi %xor3A_120, %add3A_125 : vector<16xi32>
        %select_n3A_127 = arith.select %lt3A_123, %add3A_126, %xor3A_120 : vector<16xi1>, vector<16xi32>
        %broadcast_in_dim3A_128 = vector.shape_cast %select_n3A_127 : vector<16xi32> to vector<16x1xi32>
        %gather3A_129 = vector.shape_cast %broadcast_in_dim3A_128 : vector<16x1xi32> to vector<16xi32>
        %gather3A_130 = tpu.dynamic_gather %select_n3A_116[%gather3A_129] in [0] : vector<16xi32>, vector<16xi32> -> vector<16xi32>
        %min3A = arith.minsi %select_n3A_116, %gather3A_130 : vector<16xi32>
        %iota3A_131 = tpu.iota {dimensions = array<i32: 0>} : vector<16xi32>
        %xor3A_132 = arith.constant 4 : i32
        %xor3A_133 = vector.broadcast %xor3A_132 : i32 to vector<16xi32>
        %xor3A_134 = arith.xori %iota3A_131, %xor3A_133 : vector<16xi32>
        %lt3A_135 = arith.constant 0 : i32
        %lt3A_136 = vector.broadcast %lt3A_135 : i32 to vector<16xi32>
        %lt3A_137 = arith.cmpi slt, %xor3A_134, %lt3A_136 : vector<16xi32>
        %add3A_138 = arith.constant 16 : i32
        %add3A_139 = vector.broadcast %add3A_138 : i32 to vector<16xi32>
        %add3A_140 = arith.addi %xor3A_134, %add3A_139 : vector<16xi32>
        %select_n3A_141 = arith.select %lt3A_137, %add3A_140, %xor3A_134 : vector<16xi1>, vector<16xi32>
        %broadcast_in_dim3A_142 = vector.shape_cast %select_n3A_141 : vector<16xi32> to vector<16x1xi32>
        %gather3A_143 = vector.shape_cast %broadcast_in_dim3A_142 : vector<16x1xi32> to vector<16xi32>
        %gather3A_144 = tpu.dynamic_gather %min3A[%gather3A_143] in [0] : vector<16xi32>, vector<16xi32> -> vector<16xi32>
        %min3A_145 = arith.minsi %min3A, %gather3A_144 : vector<16xi32>
        %iota3A_146 = tpu.iota {dimensions = array<i32: 0>} : vector<16xi32>
        %xor3A_147 = arith.constant 2 : i32
        %xor3A_148 = vector.broadcast %xor3A_147 : i32 to vector<16xi32>
        %xor3A_149 = arith.xori %iota3A_146, %xor3A_148 : vector<16xi32>
        %lt3A_150 = arith.constant 0 : i32
        %lt3A_151 = vector.broadcast %lt3A_150 : i32 to vector<16xi32>
        %lt3A_152 = arith.cmpi slt, %xor3A_149, %lt3A_151 : vector<16xi32>
        %add3A_153 = arith.constant 16 : i32
        %add3A_154 = vector.broadcast %add3A_153 : i32 to vector<16xi32>
        %add3A_155 = arith.addi %xor3A_149, %add3A_154 : vector<16xi32>
        %select_n3A_156 = arith.select %lt3A_152, %add3A_155, %xor3A_149 : vector<16xi1>, vector<16xi32>
        %broadcast_in_dim3A_157 = vector.shape_cast %select_n3A_156 : vector<16xi32> to vector<16x1xi32>
        %gather3A_158 = vector.shape_cast %broadcast_in_dim3A_157 : vector<16x1xi32> to vector<16xi32>
        %gather3A_159 = tpu.dynamic_gather %min3A_145[%gather3A_158] in [0] : vector<16xi32>, vector<16xi32> -> vector<16xi32>
        %min3A_160 = arith.minsi %min3A_145, %gather3A_159 : vector<16xi32>
        %iota3A_161 = tpu.iota {dimensions = array<i32: 0>} : vector<16xi32>
        %xor3A_162 = arith.constant 1 : i32
        %xor3A_163 = vector.broadcast %xor3A_162 : i32 to vector<16xi32>
        %xor3A_164 = arith.xori %iota3A_161, %xor3A_163 : vector<16xi32>
        %lt3A_165 = arith.constant 0 : i32
        %lt3A_166 = vector.broadcast %lt3A_165 : i32 to vector<16xi32>
        %lt3A_167 = arith.cmpi slt, %xor3A_164, %lt3A_166 : vector<16xi32>
        %add3A_168 = arith.constant 16 : i32
        %add3A_169 = vector.broadcast %add3A_168 : i32 to vector<16xi32>
        %add3A_170 = arith.addi %xor3A_164, %add3A_169 : vector<16xi32>
        %select_n3A_171 = arith.select %lt3A_167, %add3A_170, %xor3A_164 : vector<16xi1>, vector<16xi32>
        %broadcast_in_dim3A_172 = vector.shape_cast %select_n3A_171 : vector<16xi32> to vector<16x1xi32>
        %gather3A_173 = vector.shape_cast %broadcast_in_dim3A_172 : vector<16x1xi32> to vector<16xi32>
        %gather3A_174 = tpu.dynamic_gather %min3A_160[%gather3A_173] in [0] : vector<16xi32>, vector<16xi32> -> vector<16xi32>
        %min3A_175 = arith.minsi %min3A_160, %gather3A_174 : vector<16xi32>
        %iota3A_176 = tpu.iota {dimensions = array<i32: 0>} : vector<16xi32>
        %eq3A_177 = vector.broadcast %scan3A_46 : i32 to vector<16xi32>
        %eq3A_178 = arith.cmpi eq, %iota3A_176, %eq3A_177 : vector<16xi32>
        %select_n3A_179 = arith.select %eq3A_178, %min3A_175, %scan3A_47 : vector<16xi1>, vector<16xi32>
        scf.yield %select_n3A_179 : vector<16xi32>
      }
      %scan3A_37 = arith.constant 16 : i32
      %mul3A_38 = arith.constant 16 : i32
      %mul3A_39 = arith.muli %scan3A_29, %mul3A_38 : i32
      %add3A_40 = arith.constant 96 : i32
      %add3A_41 = arith.addi %add3A_40, %mul3A_39 : i32
      %swap3A = arith.index_cast %add3A_41 : i32 to index
      %swap3A_42 = tpu.vector_load %arg5[%swap3A] {strides = array<i32>} : memref<144xi32, #tpu.memory_space<vmem>>, vector<16xi32>,
      %swap3A_43 = vector.shape_cast %swap3A_42 : vector<16xi32> to vector<16xi32>
      %swap3A_44 = vector.shape_cast %scan3A_36 : vector<16xi32> to vector<16xi32>
      tpu.vector_store %arg5[%swap3A], %swap3A_44 {strides = array<i32>} : memref<144xi32, #tpu.memory_space<vmem>>, vector<16xi32>,
      %scan3A_45 = arith.constant 0 : i32
      scf.yield %scan3A_45 : i32
    }
    %scan3A_28 = arith.constant 3 : i32
    "tpu.region"() ({
      %run_scoped3A = tpu.sem_alloc : memref<!tpu.dma_semaphore, #tpu.memory_space<semaphore_mem>>
      %dma_start3A = tpu.memref_slice %arg3[%mul3A_2] : memref<4608xi32, #tpu.memory_space<hbm>> -> memref<144xi32, #tpu.memory_space<hbm>>
      %dma_start3A_29 = tpu.memref_slice %arg3[%mul3A_2] : memref<4608xi32, #tpu.memory_space<hbm>> -> memref<144xi32, #tpu.memory_space<hbm>>
      tpu.enqueue_dma source(%arg5 : memref<144xi32, #tpu.memory_space<vmem>>) target(%dma_start3A_29 : memref<144xi32, #tpu.memory_space<hbm>>) target_semaphore(%run_scoped3A : memref<!tpu.dma_semaphore, #tpu.memory_space<semaphore_mem>>)
      %dma_wait3A = tpu.memref_slice %arg3[%mul3A_2] : memref<4608xi32, #tpu.memory_space<hbm>> -> memref<144xi32, #tpu.memory_space<hbm>>
      %dma_wait3A_30 = tpu.memref_slice %arg3[%mul3A_2] : memref<4608xi32, #tpu.memory_space<hbm>> -> memref<144xi32, #tpu.memory_space<hbm>>
      tpu.wait_dma2 semaphore(%run_scoped3A : memref<!tpu.dma_semaphore, #tpu.memory_space<semaphore_mem>>) src(%arg5 : memref<144xi32, #tpu.memory_space<vmem>>) dst(%dma_wait3A_30 : memref<144xi32, #tpu.memory_space<hbm>>)
      tpu.yield
    }) : () -> ()
    return
  }
}

module attributes {stable_mosaic.version = 14 : i64} {
  func.func @_copy_body(%arg0: i32, %arg1: memref<2304x1024xf32, #tpu.memory_space<vmem>>, %arg2: memref<2304x1024xf32, #tpu.memory_space<vmem>>) attributes {dimension_semantics = [#tpu.dimension_semantics<arbitrary>], iteration_bounds = array<i64: 2>, scalar_prefetch = 0 : i64, scratch_operands = 0 : i64, tpu.core_type = #tpu.core_type<tc>, window_params = [{transform_indices = @transform_0, window_bounds = array<i64: 2304, 1024>}, {transform_indices = @transform_1, window_bounds = array<i64: 2304, 1024>}]} {
    %get3A = arith.constant 0 : index
    %get3A_0 = arith.constant 0 : index
    %get3A_1 = vector.load %arg1[%get3A, %get3A_0] : memref<2304x1024xf32, #tpu.memory_space<vmem>>, vector<2304x1024xf32>
    %swap3A = arith.constant 0 : index
    %swap3A_2 = arith.constant 0 : index
    %swap3A_3 = vector.load %arg2[%swap3A, %swap3A_2] : memref<2304x1024xf32, #tpu.memory_space<vmem>>, vector<2304x1024xf32>
    tpu.vector_store %arg2[%swap3A, %swap3A_2], %get3A_1 {strides = array<i32>} : memref<2304x1024xf32, #tpu.memory_space<vmem>>, vector<2304x1024xf32>,
    return
  }
  func.func @transform_0(%arg0: i32) -> (i32, i32) {
    %c0_i32 = arith.constant 0 : i32
    %c0_i32_0 = arith.constant 0 : i32
    return %arg0, %c0_i32 : i32, i32
  }
  func.func @transform_1(%arg0: i32) -> (i32, i32) {
    %c0_i32 = arith.constant 0 : i32
    %c0_i32_0 = arith.constant 0 : i32
    return %arg0, %c0_i32 : i32, i32
  }
}

</mosaic_0001>

<sc_bundles>
// kernel: kernel.4.cloned.1.call-start
scs
__scs_entry_jumppad:
0x0: {  	(pc) =	sbr.rel $0x88, $3  }
0x1: {  	(tag) =	ssettag $0x0;
	lr =	simm.s32 $0x1  }
0x2: {  	[smem:$0x3FA0] =	sst lr;
	_ =	strace $0xD0000000  }
0x3: {  	_ = 	snop  }
0x4: {  	_ = 	snop  }
0x5: {  	_ = 	snop  }
0x6: {  	_ = 	snop  }
0x7: {  	_ = 	snop  }
__scs_overlays_trampoline_lowered:
0x8: {  	[smem:$0x3FAF] =	sst s0  }
0x9: {  	[smem:$0x3FB0] =	sst s1  }
0xa: {  	[smem:$0x3FB1] =	sst s2  }
0xb: {  	[smem:$0x3FB2] =	sst s3  }
0xc: {  	[smem:$0x3FB3] =	sst s4  }
0xd: {  	[smem:$0x3FB4] =	sst s5  }
0xe: {  	[smem:$0x3FB5] =	sst s6  }
0xf: {  	[smem:$0x3FB6] =	sst s7  }
0x10: {  	[smem:$0x3FB7] =	sst s8  }
0x11: {  	[smem:$0x3FB8] =	sst s9;
	s0 =	simm.s32 @!p0 $0x0  }
0x12: {  	s1 =	sld [smem:$0x3F9E];
	s0 =	simm.s32 @p0 $0x1  }
0x13: {  	[smem:$0x3FB9] =	sst s0;
	s0 =	simm.s32 @!p1 $0x0  }
0x14: {  	s2 =	sld [smem:$0x3F9D];
	s0 =	simm.s32 @p1 $0x1  }
0x15: {  	[smem:$0x3FBA] =	sst s0;
	s0 =	simm.s32 @!p2 $0x0  }
0x16: {  	s3 =	sld [smem:$0x3FDB];
	s0 =	simm.s32 @p2 $0x1  }
0x17: {  	s4 =	simm.s32 $0x1BF5;
	[smem:$0x3FBC] =	sst s0  }
0x18: {  	s0 =	sld [smem:$0x3F9F];
	_ =	swait.ge [sflag:s4], $0x0  }
0x19: {  	s7 =	sld [smem:$0x3FA0]  }
0x1a: {  	s8 =	sadd.s32 $0xFFFFE003, lr  }
0x1b: {  	s9 =	sadd.s32 $0xFFFFFEF7, lr;
	s5 =	simm.s32 $0xFFFFFFFF;
	p2 =	slt.u32 s8, $0xFFFFF086  }
0x1c: {  	p1 =	slt.u32 s9, $0xF7A;
	s5 =	simm.s32 @!p2 $0x0  }
0x1d: {  	s5 =	simm.s32 @p1 $0x1;
	p0 =	seq.s32 s7, s2  }
0x1e: {  	s7 =	smul.u32 @!p0 $0xF7A, s2;
	p2 =	seq.s32 @!p0 s5, $0x0  }
0x1f: {  	s9 =	smul.u32 $0xF7A, s1;
	s8 =	simm.s32 @!p0 $0x1BF5;
	p2 =	por !p2, p0  }
0x20: {  	[sflag:s8] =	ssyncset.s32 @!p0 $0xFFFFF086;
	s6 =	sadd.s32 @!p0 s3, s7;
	s7 =	simm.s32 @!p0 $0x108  }
0x21: {  	s3 =	sadd.s32 s3, s9;
	s6 =	sadd.s32 @!p0 $0x88, s6;
	s7 =	simm.s32 @p2 $0x1082  }
0x22: {  	[simem:s7], [sflag:s8] =	dma.local @!p0 [hbm:s6], $0xF7A  }
0x23: {  	s9 =	sor.u32 $0xD0000000, s2;
	s6 =	simm.s32 $0x108;
	_ =	swait.ge @!p0 [sflag:s8], $0x0  }
0x24: {  	s3 =	sadd.s32 $0x88, s3;
	s6 =	simm.s32 @!p1 $0x1082;
	[sflag:s4] =	ssyncset.s32 $0xFFFFF086  }
0x25: {  	[simem:s6], [sflag:s4] =	dma.local [hbm:s3], $0xF7A  }
0x26: {  	[smem:$0x3FA0] =	sst s1;
	(tag) =	ssettag s2;
	_ =	strace s9  }
0x27: {  	s1 =	sld [smem:$0x3FB0]  }
0x28: {  	s2 =	sld [smem:$0x3FB1]  }
0x29: {  	s4 =	sld [smem:$0x3FB3]  }
0x2a: {  	p0 =	seq.s32 s5, $0x0;
	s5 =	sld [smem:$0x3FB4]  }
0x2b: {  	s6 =	sld [smem:$0x3FB5]  }
0x2c: {  	s7 =	sld [smem:$0x3FB6]  }
0x2d: {  	s3 =	simm.s32 $0x108;
	s8 =	sld [smem:$0x3FB7]  }
0x2e: {  	s3 =	simm.s32 @!p0 $0x1082;
	s9 =	sld [smem:$0x3FB8]  }
0x2f: {  	lr =	sadd.s32 s0, s3;
	s0 =	sld [smem:$0x3FAF]  }
0x30: {  	s3 =	sld [smem:$0x3FB2]  }
0x31: {  	[smem:$0x3FBB] =	sst s10  }
0x32: {  	s10 =	sld [smem:$0x3FB9];
	_ =	sdelay $0x3  }
0x33: {  	p0 =	seq.s32 s10, $0x1;
	s10 =	sld [smem:$0x3FBB];
	_ =	sdelay $0x3  }
0x34: {  	[smem:$0x3FBB] =	sst s10  }
0x35: {  	s10 =	sld [smem:$0x3FBA];
	_ =	sdelay $0x3  }
0x36: {  	p1 =	seq.s32 s10, $0x1;
	s10 =	sld [smem:$0x3FBB];
	_ =	sdelay $0x3  }
0x37: {  	[smem:$0x3FBB] =	sst s10  }
0x38: {  	s10 =	sld [smem:$0x3FBC]  }
0x39: {  	_ = 	snop;
	(pc) =	sbr.ind lr, $3  }
0x3a: {  	_ = 	snop  }
0x3b: {  	_ = 	snop  }
0x3c: {  	p2 =	seq.s32 s10, $0x1;
	s10 =	sld [smem:$0x3FBB]  }
0x3d: {  	_ =	shalt  }
0x3e: {  	_ =	shalt  }
0x3f: {  	_ =	shalt  }
0x40: {  	_ =	shalt  }
0x41: {  	_ =	shalt  }
0x42: {  	_ =	shalt  }
0x43: {  	_ =	shalt  }
0x44: {  	_ =	shalt  }
0x45: {  	_ =	shalt  }
0x46: {  	_ =	shalt  }
0x47: {  	_ =	shalt  }
0x48: {  	_ =	shalt  }
0x49: {  	_ =	shalt  }
0x4a: {  	_ =	shalt  }
0x4b: {  	_ =	shalt  }
0x4c: {  	_ =	shalt  }
0x4d: {  	_ =	shalt  }
0x4e: {  	_ =	shalt  }
0x4f: {  	_ =	shalt  }
0x50: {  	_ =	shalt  }
0x51: {  	_ =	shalt  }
0x52: {  	_ =	shalt  }
0x53: {  	_ =	shalt  }
0x54: {  	_ =	shalt  }
0x55: {  	_ =	shalt  }
0x56: {  	_ =	shalt  }
0x57: {  	_ =	shalt  }
0x58: {  	_ =	shalt  }
0x59: {  	_ =	shalt  }
0x5a: {  	_ =	shalt  }
0x5b: {  	_ =	shalt  }
0x5c: {  	_ =	shalt  }
0x5d: {  	_ =	shalt  }
0x5e: {  	_ =	shalt  }
0x5f: {  	_ =	shalt  }
0x60: {  	_ =	shalt  }
0x61: {  	_ =	shalt  }
0x62: {  	_ =	shalt  }
0x63: {  	_ =	shalt  }
0x64: {  	_ =	shalt  }
0x65: {  	_ =	shalt  }
0x66: {  	_ =	shalt  }
0x67: {  	_ =	shalt  }
0x68: {  	_ =	shalt  }
0x69: {  	_ =	shalt  }
0x6a: {  	_ =	shalt  }
0x6b: {  	_ =	shalt  }
0x6c: {  	_ =	shalt  }
0x6d: {  	_ =	shalt  }
0x6e: {  	_ =	shalt  }
0x6f: {  	_ =	shalt  }
0x70: {  	_ =	shalt  }
0x71: {  	_ =	shalt  }
0x72: {  	_ =	shalt  }
0x73: {  	_ =	shalt  }
0x74: {  	_ =	shalt  }
0x75: {  	_ =	shalt  }
0x76: {  	_ =	shalt  }
0x77: {  	_ =	shalt  }
0x78: {  	_ =	shalt  }
0x79: {  	_ =	shalt  }
0x7a: {  	_ =	shalt  }
0x7b: {  	_ =	shalt  }
0x7c: {  	_ =	shalt  }
0x7d: {  	_ =	shalt  }
0x7e: {  	_ =	shalt  }
0x7f: {  	_ =	shalt  }
0x80: {  	_ =	shalt  }
0x81: {  	_ =	shalt  }
0x82: {  	_ =	shalt  }
0x83: {  	_ =	shalt  }
0x84: {  	_ =	shalt  }
0x85: {  	_ =	shalt  }
0x86: {  	_ =	shalt  }
0x87: {  	_ =	shalt  }
.Lfunc_end0:
.L_simem_size_0:
called_computation_lowered:
.L_overlay_start_0:
0x88: {  	s2 =	sld [smem:$0x3FD9]  }
0x89: {  	s3 =	sld [smem:$0x3FFE];
	_ =	sdelay $0x1  }
0x8a: {  	s1 =	srdreg.scid  }
0x8b: {  	s0 =	sand.u32 $0x1, s1  }
0x8c: {  	s17 =	sshll.u32 s0, $0xA;
	s2 =	sadd.s32 s3, s2  }
0x8d: {  	s2 =	sadd.s32 s2, s17  }
0x8e: {  	[smem:$0x3FC7] =	sst s2  }
0x8f: {  	_ = 	snop  }
0x90: {  	s2 =	sld [smem:$0x3FC9];
	(tm) =	ssettm $0x1  }
0x91: {  	s18 =	sld [smem:$0x3FFB];
	_ =	sdelay $0x3  }
0x92: {  	_ =	strace s18  }
0x93: {  	s3 =	sld [smem:$0x3FFC];
	_ =	sdelay $0x3  }
0x94: {  	_ =	strace s3  }
0x95: {  	s3 =	sld [smem:$0x3FFD];
	_ =	sdelay $0x3  }
0x96: {  	_ =	strace s3  }
0x97: {  	_ =	strace $0x8FFFFFFF  }
0x98: {  	s19 =	sld [smem:$0x3FDB];
	_ =	sdelay $0x1  }
0x99: {  	s4 =	simm.s32 $_scs_section_size  }
0x9a: {  	s5 =	simm.s32 $_size__tile_overlayer_lowered;
	s6 =	simm.s32 $_tile_overlayer_lowered  }
0x9b: {  	s22 =	simm.s32 $0x1BFF;
	s21 =	sshll.u32 s6, $0x1;
	s3 =	sadd.s32 s4, s19  }
0x9c: {  	s7 =	simm.s32 $0x0;
	s20 =	sshll.u32 s5, $0x1;
	s5 =	sadd.s32 s21, s3  }
0x9d: {  	[timem:s7], [sflag:s22] =	dma.local [hbm:s5], s20  }
0x9e: {  	_ =	swait.ge [sflag:s22], s20  }
0x9f: {  	s4 =	ssub.s32 $0x0, s20;
	[sflag:s22] =	ssyncset.done $0x0  }
0xa0: {  	[sflag:s22] =	ssyncadd.s32 s4;
	_ =	sdelay $0x1  }
0xa1: {  	s23 =	simm.s32 $0x1B8B  }
0xa2: {  	_ =	swait.ge [sflag:s23], $0x1  }
0xa3: {  	[sflag:s23] =	ssyncset.done $0x0  }
0xa4: {  	s25 =	simm.s32 $0x1B8E;
	s24 =	sld [smem:$0x3FFE];
	[sflag:s23] =	ssyncadd.s32 $0xFFFFFFFF  }
0xa5: {  	s26 =	simm.s32 $execute0_lowered;
	[smem:$0x3FD2] =	sst s25  }
0xa6: {  	s5 =	sshll.u32 s26, $0x1;
	_ =	strace $0x80000046;
	[dreg:$0x1] =	wrdreg $0xFFFFFFFF  }
0xa7: {  	s28 =	simm.s32 $_size_execute0_lowered;
	s3 =	sadd.s32 s3, s5;
	[dreg:$0x0] =	wrdreg $0x0  }
0xa8: {  	s5 =	sshll.u32 s28, $0x1;
	[dreg:$0x2] =	wrdreg s3  }
0xa9: {  	[dreg:$0x3] =	wrdreg s5  }
0xaa: {  	[dreg:$0x4] =	wrdreg $0xC0  }
0xab: {  	_ =	task [dreg:s7], $0x5FFFF  }
0xac: {  	[dreg:$0x1] =	wrdreg $0xFFFFFFFF  }
0xad: {  	[dreg:$0x0] =	wrdreg $0x60  }
0xae: {  	[dreg:$0x2] =	wrdreg s2  }
0xaf: {  	[dreg:$0x3] =	wrdreg s24  }
0xb0: {  	[dreg:$0x4] =	wrdreg $0x9  }
0xb1: {  	_ =	task.clear_ibuf [dreg:s7], $0x5FFFF;
	_ =	strace $0x90000046  }
0xb2: {  	s29 =	simm.s32 $0x9;
	_ =	strace $0x80000048  }
0xb3: {  	_ =	swait.ge [sflag:s29], $0x1  }
0xb4: {  	[sflag:s29] =	ssyncadd.s32 $0xFFFFFFFF  }
0xb5: {  	_ =	strace $0x90000048  }
0xb6: {  	_ =	sfence  }
0xb7: {  	s30 =	sld [smem:$0x0];
	_ =	sdelay $0x2  }
0xb8: {  	s31 =	sshll.u32 s1, $0xD;
	s1 =	sshrl.u32 s1, $0x2  }
0xb9: {  	s3 =	sand.u32 $0x4000, s31;
	s1 =	sadd.s32 s1, s30  }
0xba: {  	s0 =	sor.u32 s3, s0;
	s1 =	sshll.u32 s1, $0x11  }
0xbb: {  	s0 =	sor.u32 s1, s0  }
0xbc: {  	s0 =	sadd.s32 $0x8F2B, s0  }
0xbd: {  	[sflag:s0] =	ssyncadd.remote.s32 $0x1  }
0xbe: {  	_ =	sfence.sel $0xFFFF  }
0xbf: {  	[dreg:$0x0] =	wrdreg $0xFFFFFFFF;
	(pc) =	sbr.abs _section_cstart, $3  }
0xc0: {  	[dreg:$0x1] =	wrdreg $0xFFFFFFFF  }
0xc1: {  	_ =	task.clear_ibuf [dreg:s7], $0x2FFFF;
	_ =	strace $0x9FFFFFFF  }
0xc2: {  	(tm) =	ssettm $0x7FFFFFFF  }
0xc3: {  	_ =	shalt  }
tec
execute0_lowered:
.L_overlay_start_1:
0x0: {  	(tag) =	ssettag $0x1  }
0x1: {  	v0 =	vimm.s32 $0xFEDCBA98;
	v1 =	vimm.s32 $0x76543210  }
0x2: {  	v2 =	vimm.s32 $0xBA98FEDC;
	v3 =	vimm.s32 $0x32107654;
	v4 =	vimm.s32 $0xDCFE98BA  }
0x3: {  	s1 =	srdreg.scid;
	s0 =	stileid.u32;
	v5 =	vimm.s32 $0x54761032;
	v6 =	vimm.s32 $0xEFCDAB89;
	v7 =	vimm.s32 $0x67452301  }
0x4: {  	s3 =	rddreg [dreg:$0x0];
	v0 =	vunpack.c.l.s4.s8 v0;
	v1 =	vunpack.c.l.s4.s8 v1;
	s5 =	sand.u32 $0x1, s1;
	s6 =	sshll.u32 s0, $0x1;
	v2 =	vunpack.c.l.s4.s8 v2  }
0x5: {  	s4 =	rddreg [dreg:$0x1];
	v3 =	vunpack.c.l.s4.s8 v3;
	v4 =	vunpack.c.l.s4.s8 v4;
	v5 =	vunpack.c.l.s4.s8 v5;
	s6 =	sor.u32 s5, s6  }
0x6: {  	s2 =	simm.s32 $0x0;
	s10 =	simm.s32 $0x0;
	v6 =	vunpack.c.l.s4.s8 v6;
	v7 =	vunpack.c.l.s4.s8 v7;
	v0 =	vunpack.c.0.s8.s32 v0;
	s7 =	smul.u32 $0x24000, s6  }
0x7: {  	s1 =	rddreg [dreg:$0x2];
	s5 =	ssub.s32 $0x2, s5;
	s8 =	smul.u32 $0x12, s6;
	v2 =	vunpack.c.0.s8.s32 v2;
	v3 =	vunpack.c.0.s8.s32 v3;
	v4 =	vunpack.c.0.s8.s32 v4  }
0x8: {  	[smem:$0x7FF] =	sst s2;
	s6 =	smul.u32 $0x4800, s6;
	v5 =	vunpack.c.0.s8.s32 v5;
	v6 =	vunpack.c.0.s8.s32 v6;
	v7 =	vunpack.c.0.s8.s32 v7;
	s31 =	sshrl.u32 s5, $0x1  }
0x9: {  	_ =	strace $0x80000047;
	v1 =	vunpack.c.0.s8.s32 v1;
	s9 =	ssub.s32 s5, s31;
	s7 =	sshrl.u32 s7, $0x3;
	v2 =	vcombine.low v3, v2  }
0xa: {  	s8 =	sadd.s32 s8, s4;
	v3 =	vcombine.low v5, v4;
	v4 =	vand.u32 $0xF, v0;
	v5 =	vcombine.low v7, v6;
	s7 =	sadd.s32 s3, s7;
	s3 =	sadd.s32 s3, s6  }
0xb: {  	v0 =	vlaneseq.u32;
	s6 =	sadd.s32 $0x600, s8;
	v1 =	vcombine.low v4, v1;
	s8 =	simm.s32 $0x1;
	s4 =	sadd.s32 $0x1800, s7  }
0xc: {  	s5 =	sadd.s32 $0x3000, s7;
	s7 =	smax.u32 s9, $0x1;
	v2 =	vand.u32 $0xF, v2;
	v3 =	vand.u32 $0xF, v3;
	v4 =	vand.u32 $0xF, v5;
	s9 =	simm.s32 $0xC000  }
.LBB2_1:
0xd: {  	[tilespmem:s2], [sflag:$0x1] =	stream.linear.gather [hbm4b:s3+s2], $0xC000, $0x38;
	[tilespmem:$0xC100] =	vst v63  }
0xe: {  	_ =	swait.ge [sflag:s8], $0xC000  }
0xf: {  	[sflag:s8] =	ssyncset.done $0x0  }
0x10: {  	s11 =	simm.s32 $0x0;
	[sflag:s8] =	ssyncadd.s32 $0xFFFF4000  }
.LBB2_2:
0x11: {  	s12 =	sshll.u32 s11, $0xE  }
0x12: {  	s13 =	simm.s32 $0x0;
	v5 =	vimm.s32 $0x0;
	s12 =	sand.u32 $0x3FFFC000, s12  }
.LBB2_3:
0x13: {  	s14 =	sshll.u32 s13, $0x7  }
0x14: {  	s16 =	sand.u32 $0x380, s14  }
0x15: {  	s31 =	sshll.u32 s13, $0xA;
	v7 =	vmov s16  }
0x16: {  	s17 =	simm.s32 $0x80;
	s14 =	sand.u32 $0x2000, s31  }
0x17: {  	s17 =	sand.u32 $0x1C00, s17;
	s15 =	sadd.s32 s14, s12;
	s14 =	simm.s32 $0x10  }
0x18: {  	s16 =	sadd.s32 s16, s15;
	s18 =	sand.u32 $0x70, s14;
	s17 =	sadd.s32 s17, s15  }
0x19: {  	v8 =	vld [tilespmem:s16+$0x0];
	s17 =	sadd.s32 s18, s17  }
0x1a: {  	v6 =	vlaneseq.u32;
	s16 =	simm.s32 $0x20;
	v9 =	vld.idx.msk [tilespmem:v7+s17+$0x0 ss:$0x1], $0xffff;
	s17 =	simm.s32 $0x100  }
.LBB2_4:
0x1b: {  	s18 =	sand.u32 $0x1C00, s17  }
0x1c: {  	p0 =	sne.s32 s16, $0x3F0;
	s19 =	smov.u32 s16;
	s16 =	sadd.s32 $0x10, s16  }
.Ltmp0:
0x1d: {  	s20 =	sand.u32 $0x70, s19;
	s18 =	sadd.s32 s18, s15;
	(pc) =	sbr.rel @p0 .LBB2_4-.Ltmp0, $4  }
0x1e: {  	s18 =	sadd.s32 s20, s18  }
0x1f: {  	v10 =	vor.u32 s14, v0;
	s14 =	smov.u32 s19;
	vm0 =	vgt.f32 v9, v8;
	v11 =	vmov v9;
	v9 =	vld.idx.msk [tilespmem:v7+s18+$0x0 ss:$0x1], $0xffff  }
0x20: {  	v8 =	vsel vm0, v11, v8;
	v6 =	vsel vm0, v10, v6  }
0x21: {  	s17 =	sadd.s32 $0x80, s17  }
0x22: {  	_ =	sdelay $0x1  }
0x23: {  	vm0 =	vgt.f32 v9, v8  }
0x24: {  	v7 =	vsel vm0, v9, v8  }
0x25: {  	v8 =	vperm.xlane v7, v1;
	_ =	sdelay $0x1  }
0x26: {  	v8 =	vmax.f32 v7, v8  }
0x27: {  	v61 =	vperm.xlane v8, v2;
	_ =	sdelay $0x1  }
0x28: {  	v8 =	vmax.f32 v8, v61  }
0x29: {  	v9 =	vperm.xlane v8, v3;
	_ =	sdelay $0x1  }
0x2a: {  	v8 =	vmax.f32 v8, v9  }
0x2b: {  	v9 =	vperm.xlane v8, v4;
	_ =	sdelay $0x1  }
0x2c: {  	v62 =	vor.u32 s14, v0;
	v8 =	vmax.f32 v8, v9  }
0x2d: {  	v6 =	vsel vm0, v62, v6;
	vm14 =	veq.f32 v7, v8  }
0x2e: {  	v6 =	vnsel vm14, $0x100000, v6  }
0x2f: {  	v7 =	vperm.xlane v6, v1;
	_ =	sdelay $0x1  }
0x30: {  	vm0 =	vlt.s32 v6, v7  }
0x31: {  	v6 =	vsel vm0, v6, v7  }
0x32: {  	v7 =	vperm.xlane v6, v2;
	_ =	sdelay $0x1  }
0x33: {  	vm0 =	vlt.s32 v6, v7  }
0x34: {  	v6 =	vsel vm0, v6, v7  }
0x35: {  	v7 =	vperm.xlane v6, v3;
	_ =	sdelay $0x1  }
0x36: {  	v63 =	vmov s13;
	s13 =	sadd.s32 $0x1, s13;
	vm0 =	vlt.s32 v6, v7  }
0x37: {  	p0 =	sne.s32 s13, $0x10;
	v6 =	vsel vm0, v6, v7  }
.Ltmp1:
0x38: {  	v7 =	vperm.xlane v6, v4;
	(pc) =	sbr.rel @p0 .LBB2_3-.Ltmp1, $4  }
0x39: {  	_ = 	snop  }
0x3a: {  	vm0 =	vlt.s32 v6, v7  }
0x3b: {  	vm15 =	veq.s32 v63, v0;
	v6 =	vsel vm0, v6, v7  }
0x3c: {  	v5 =	vsel vm15, v6, v5  }
0x3d: {  	s12 =	sshll.u32 s11, $0x4;
	s11 =	sadd.s32 $0x1, s11  }
0x3e: {  	p0 =	sne.s32 s11, $0x3  }
.Ltmp2:
0x3f: {  	_ = 	snop;
	(pc) =	sbr.rel @p0 .LBB2_2-.Ltmp2, $3  }
0x40: {  	_ =	sdelay $0x1  }
0x41: {  	s12 =	sand.u32 $0x3FFFFFF0, s12  }
0x42: {  	[tilespmem:s12+$0xC000] =	vst v5  }
0x43: {  	s11 =	simm.s32 $0x0  }
0x44: {  	[tilespmem:s11], [sflag:$0x1] =	stream.linear.gather [hbm4b:s4+s11], $0xC000, $0x38;
	[tilespmem:$0xC100] =	vst v63  }
0x45: {  	_ =	swait.ge [sflag:s8], $0xC000  }
0x46: {  	[sflag:s8] =	ssyncset.done $0x0  }
0x47: {  	[sflag:s8] =	ssyncadd.s32 $0xFFFF4000  }
.LBB2_8:
0x48: {  	s12 =	sshll.u32 s11, $0xE  }
0x49: {  	v5 =	vimm.s32 $0x0;
	s13 =	simm.s32 $0x0;
	s12 =	sand.u32 $0x3FFFC000, s12  }
.LBB2_9:
0x4a: {  	s14 =	sshll.u32 s13, $0x7  }
0x4b: {  	s16 =	sand.u32 $0x380, s14  }
0x4c: {  	s31 =	sshll.u32 s13, $0xA;
	v7 =	vmov s16  }
0x4d: {  	s17 =	simm.s32 $0x80;
	s14 =	sand.u32 $0x2000, s31  }
0x4e: {  	s17 =	sand.u32 $0x1C00, s17;
	s15 =	sadd.s32 s14, s12;
	s14 =	simm.s32 $0x10  }
0x4f: {  	s16 =	sadd.s32 s16, s15;
	s18 =	sand.u32 $0x70, s14;
	s17 =	sadd.s32 s17, s15  }
0x50: {  	v8 =	vld [tilespmem:s16+$0x0];
	s17 =	sadd.s32 s18, s17  }
0x51: {  	v6 =	vlaneseq.u32;
	s16 =	simm.s32 $0x20;
	v9 =	vld.idx.msk [tilespmem:v7+s17+$0x0 ss:$0x1], $0xffff;
	s17 =	simm.s32 $0x100  }
.LBB2_10:
0x52: {  	s18 =	sand.u32 $0x1C00, s17  }
0x53: {  	p0 =	sne.s32 s16, $0x3F0;
	s19 =	smov.u32 s16;
	s16 =	sadd.s32 $0x10, s16  }
.Ltmp3:
0x54: {  	s20 =	sand.u32 $0x70, s19;
	s18 =	sadd.s32 s18, s15;
	(pc) =	sbr.rel @p0 .LBB2_10-.Ltmp3, $4  }
0x55: {  	s18 =	sadd.s32 s20, s18  }
0x56: {  	v10 =	vor.u32 s14, v0;
	s14 =	smov.u32 s19;
	vm0 =	vgt.f32 v9, v8;
	v11 =	vmov v9;
	v9 =	vld.idx.msk [tilespmem:v7+s18+$0x0 ss:$0x1], $0xffff  }
0x57: {  	v8 =	vsel vm0, v11, v8;
	v6 =	vsel vm0, v10, v6  }
0x58: {  	s17 =	sadd.s32 $0x80, s17  }
0x59: {  	_ =	sdelay $0x1  }
0x5a: {  	vm0 =	vgt.f32 v9, v8  }
0x5b: {  	v7 =	vsel vm0, v9, v8  }
0x5c: {  	v8 =	vperm.xlane v7, v1;
	_ =	sdelay $0x1  }
0x5d: {  	v8 =	vmax.f32 v7, v8  }
0x5e: {  	v61 =	vperm.xlane v8, v2;
	_ =	sdelay $0x1  }
0x5f: {  	v8 =	vmax.f32 v8, v61  }
0x60: {  	v9 =	vperm.xlane v8, v3;
	_ =	sdelay $0x1  }
0x61: {  	v8 =	vmax.f32 v8, v9  }
0x62: {  	v9 =	vperm.xlane v8, v4;
	_ =	sdelay $0x1  }
0x63: {  	v62 =	vor.u32 s14, v0;
	v8 =	vmax.f32 v8, v9  }
0x64: {  	v6 =	vsel vm0, v62, v6;
	vm14 =	veq.f32 v7, v8  }
0x65: {  	v6 =	vnsel vm14, $0x100000, v6  }
0x66: {  	v7 =	vperm.xlane v6, v1;
	_ =	sdelay $0x1  }
0x67: {  	vm0 =	vlt.s32 v6, v7  }
0x68: {  	v6 =	vsel vm0, v6, v7  }
0x69: {  	v7 =	vperm.xlane v6, v2;
	_ =	sdelay $0x1  }
0x6a: {  	vm0 =	vlt.s32 v6, v7  }
0x6b: {  	v6 =	vsel vm0, v6, v7  }
0x6c: {  	v7 =	vperm.xlane v6, v3;
	_ =	sdelay $0x1  }
0x6d: {  	v63 =	vmov s13;
	s13 =	sadd.s32 $0x1, s13;
	vm0 =	vlt.s32 v6, v7  }
0x6e: {  	p0 =	sne.s32 s13, $0x10;
	v6 =	vsel vm0, v6, v7  }
.Ltmp4:
0x6f: {  	v7 =	vperm.xlane v6, v4;
	(pc) =	sbr.rel @p0 .LBB2_9-.Ltmp4, $4  }
0x70: {  	_ = 	snop  }
0x71: {  	vm0 =	vlt.s32 v6, v7  }
0x72: {  	vm15 =	veq.s32 v63, v0;
	v6 =	vsel vm0, v6, v7  }
0x73: {  	v5 =	vsel vm15, v6, v5  }
0x74: {  	s12 =	sshll.u32 s11, $0x4;
	s11 =	sadd.s32 $0x1, s11  }
0x75: {  	p0 =	sne.s32 s11, $0x3  }
.Ltmp5:
0x76: {  	_ = 	snop;
	(pc) =	sbr.rel @p0 .LBB2_8-.Ltmp5, $3  }
0x77: {  	_ =	sdelay $0x1  }
0x78: {  	s12 =	sand.u32 $0x3FFFFFF0, s12  }
0x79: {  	[tilespmem:s12+$0xC030] =	vst v5  }
0x7a: {  	s11 =	simm.s32 $0x0  }
0x7b: {  	[tilespmem:s11], [sflag:$0x1] =	stream.linear.gather [hbm4b:s5+s11], $0xC000, $0x38;
	[tilespmem:$0xC100] =	vst v63  }
0x7c: {  	_ =	swait.ge [sflag:s8], $0xC000  }
0x7d: {  	[sflag:s8] =	ssyncset.done $0x0  }
0x7e: {  	[sflag:s8] =	ssyncadd.s32 $0xFFFF4000  }
.LBB2_14:
0x7f: {  	s12 =	sshll.u32 s11, $0xE  }
0x80: {  	v5 =	vimm.s32 $0x0;
	s13 =	simm.s32 $0x0;
	s12 =	sand.u32 $0x3FFFC000, s12  }
.LBB2_15:
0x81: {  	s14 =	sshll.u32 s13, $0x7  }
0x82: {  	s16 =	sand.u32 $0x380, s14  }
0x83: {  	s31 =	sshll.u32 s13, $0xA;
	v7 =	vmov s16  }
0x84: {  	s17 =	simm.s32 $0x80;
	s14 =	sand.u32 $0x2000, s31  }
0x85: {  	s17 =	sand.u32 $0x1C00, s17;
	s15 =	sadd.s32 s14, s12;
	s14 =	simm.s32 $0x10  }
0x86: {  	s16 =	sadd.s32 s16, s15;
	s18 =	sand.u32 $0x70, s14;
	s17 =	sadd.s32 s17, s15  }
0x87: {  	v8 =	vld [tilespmem:s16+$0x0];
	s17 =	sadd.s32 s18, s17  }
0x88: {  	v6 =	vlaneseq.u32;
	s16 =	simm.s32 $0x20;
	v9 =	vld.idx.msk [tilespmem:v7+s17+$0x0 ss:$0x1], $0xffff;
	s17 =	simm.s32 $0x100  }
.LBB2_16:
0x89: {  	s18 =	sand.u32 $0x1C00, s17  }
0x8a: {  	p0 =	sne.s32 s16, $0x3F0;
	s19 =	smov.u32 s16;
	s16 =	sadd.s32 $0x10, s16  }
.Ltmp6:
0x8b: {  	s20 =	sand.u32 $0x70, s19;
	s18 =	sadd.s32 s18, s15;
	(pc) =	sbr.rel @p0 .LBB2_16-.Ltmp6, $4  }
0x8c: {  	s18 =	sadd.s32 s20, s18  }
0x8d: {  	v10 =	vor.u32 s14, v0;
	s14 =	smov.u32 s19;
	vm0 =	vgt.f32 v9, v8;
	v11 =	vmov v9;
	v9 =	vld.idx.msk [tilespmem:v7+s18+$0x0 ss:$0x1], $0xffff  }
0x8e: {  	v8 =	vsel vm0, v11, v8;
	v6 =	vsel vm0, v10, v6  }
0x8f: {  	s17 =	sadd.s32 $0x80, s17  }
0x90: {  	_ =	sdelay $0x1  }
0x91: {  	vm0 =	vgt.f32 v9, v8  }
0x92: {  	v7 =	vsel vm0, v9, v8  }
0x93: {  	v8 =	vperm.xlane v7, v1;
	_ =	sdelay $0x1  }
0x94: {  	v8 =	vmax.f32 v7, v8  }
0x95: {  	v61 =	vperm.xlane v8, v2;
	_ =	sdelay $0x1  }
0x96: {  	v8 =	vmax.f32 v8, v61  }
0x97: {  	v9 =	vperm.xlane v8, v3;
	_ =	sdelay $0x1  }
0x98: {  	v8 =	vmax.f32 v8, v9  }
0x99: {  	v9 =	vperm.xlane v8, v4;
	_ =	sdelay $0x1  }
0x9a: {  	v62 =	vor.u32 s14, v0;
	v8 =	vmax.f32 v8, v9  }
0x9b: {  	v6 =	vsel vm0, v62, v6;
	vm14 =	veq.f32 v7, v8  }
0x9c: {  	v6 =	vnsel vm14, $0x100000, v6  }
0x9d: {  	v7 =	vperm.xlane v6, v1;
	_ =	sdelay $0x1  }
0x9e: {  	vm0 =	vlt.s32 v6, v7  }
0x9f: {  	v6 =	vsel vm0, v6, v7  }
0xa0: {  	v7 =	vperm.xlane v6, v2;
	_ =	sdelay $0x1  }
0xa1: {  	vm0 =	vlt.s32 v6, v7  }
0xa2: {  	v6 =	vsel vm0, v6, v7  }
0xa3: {  	v7 =	vperm.xlane v6, v3;
	_ =	sdelay $0x1  }
0xa4: {  	v63 =	vmov s13;
	s13 =	sadd.s32 $0x1, s13;
	vm0 =	vlt.s32 v6, v7  }
0xa5: {  	p0 =	sne.s32 s13, $0x10;
	v6 =	vsel vm0, v6, v7  }
.Ltmp7:
0xa6: {  	v7 =	vperm.xlane v6, v4;
	(pc) =	sbr.rel @p0 .LBB2_15-.Ltmp7, $4  }
0xa7: {  	_ = 	snop  }
0xa8: {  	vm0 =	vlt.s32 v6, v7  }
0xa9: {  	vm15 =	veq.s32 v63, v0;
	v6 =	vsel vm0, v6, v7  }
0xaa: {  	v5 =	vsel vm15, v6, v5  }
0xab: {  	s12 =	sshll.u32 s11, $0x4;
	s11 =	sadd.s32 $0x1, s11  }
0xac: {  	p0 =	sne.s32 s11, $0x3  }
.Ltmp8:
0xad: {  	_ = 	snop;
	(pc) =	sbr.rel @p0 .LBB2_14-.Ltmp8, $3  }
0xae: {  	_ =	sdelay $0x1  }
0xaf: {  	s12 =	sand.u32 $0x3FFFFFF0, s12  }
0xb0: {  	[tilespmem:s12+$0xC060] =	vst v5  }
0xb1: {  	s10 =	sadd.s32 $0x1, s10  }
0xb2: {  	p0 =	sne.s32 s10, s7  }
.Ltmp9:
0xb3: {  	_ = 	snop;
	(pc) =	sbr.rel @p0 .LBB2_1-.Ltmp9, $4  }
0xb4: {  	[hbm4b:s6+s2] =	stream.linear.scatter [tilespmem:s9], [sflag:$0x1], $0x90, $0x38;
	[tilespmem:$0xC100] =	vst v63  }
0xb5: {  	_ =	swait.ge [sflag:s8], $0x90  }
0xb6: {  	[sflag:s8] =	ssyncset.done $0x0  }
0xb7: {  	[sflag:s8] =	ssyncadd.s32 $0xFFFFFF70  }
0xb8: {  	_ =	sfence.sel $0x180000  }
0xb9: {  	[bflag:$0x0] =	sbarrier.arrive $0xFFFF  }
0xba: {  	p0 =	sne.s32 s0, $0x0;
	_ =	strace $0x90000047  }
0xbb: {  	s0 =	sadd.s32 @!p0 $0x100000, s1;
	[bflag:$0x2] =	sbarrier.arrive $0xFFFF  }
0xbc: {  	[sflag:s0] =	ssyncadd.tile.s32 @!p0 $0x1;
	_ =	shalt  }
.Lfunc_end2:
_tile_overlayer_lowered:
.L_overlay_start_2:
0xbd: {  	(tag) =	ssettag $0x2  }
0xbe: {  	s0 =	rddreg [dreg:$0x0];
	s2 =	stileid.u32  }
0xbf: {  	s1 =	rddreg [dreg:$0x1];
	p0 =	sne.s32 s2, $0x0  }
0xc0: {  	s3 =	rddreg [dreg:$0x2];
	[bflag:$0x3] =	sbarrier.arrive $0xFFFF;
	s2 =	simm.s32 @!p0 $0x1C01  }
0xc1: {  	[timem:s3], [sflag:s2] =	dma.local @!p0 [hbm:s0], s1  }
0xc2: {  	s0 =	simm.s32 @!p0 $0x1  }
0xc3: {  	_ =	swait.ge @!p0 [sflag:s0], s1  }
0xc4: {  	s1 =	ssub.s32 @!p0 $0x0, s1;
	[sflag:s0] =	ssyncset.done @!p0 $0x0  }
0xc5: {  	[sflag:s0] =	ssyncadd.s32 @!p0 s1  }
0xc6: {  	[bflag:$0x3] =	sbarrier.arrive $0xFFFF  }
0xc7: {  	_ =	shalt  }

</sc_bundles>
